<compile_context>
chip_gen: v7x
topology: tpu7x:2x2x1
jax: 0.10.2.dev20260603
libtpu: 0.0.44.dev20260713+nightly
codegen_flags: <defaults>
</compile_context>

<pallas_src>
import functools

import jax
import jax.numpy as jnp
from jax import lax
from jax.experimental import pallas as pl
from jax.experimental.pallas import tpu as pltpu
from jax.experimental.pallas import tpu_sc as plsc

N = 10000
E = 320000
D = 128

NC = 2
NS = 16
NW = NC * NS
CHUNK = 125
NSLOT = 2
NCROWS = E // CHUNK
GPW = NCROWS // NW
BLK = 8
NBLOCKS = GPW // BLK

RPT = 624
TAIL = N - NS * RPT
ZROWS = 104

ROW_BLOCK = 5000


def _sc_neigh_sum(features, ei):
    mesh = plsc.VectorSubcoreMesh(
        core_axis_name="c", subcore_axis_name="s",
        num_cores=NC, num_subcores=NS)

    @functools.partial(
        pl.kernel,
        out_type=jax.ShapeDtypeStruct((NC, N, D), jnp.float32),
        mesh=mesh,
        scratch_types=[
            pltpu.VMEM((2, BLK, CHUNK), jnp.int32),
            pltpu.VMEM((2, BLK, CHUNK), jnp.int32),
            pltpu.VMEM((NSLOT, CHUNK, D), jnp.float32),
            pltpu.VMEM_SHARED((N, D), jnp.float32),
            pltpu.SemaphoreType.DMA,
            pltpu.SemaphoreType.DMA,
        ],
    )
    def k(feat_hbm, ei_hbm, out_hbm,
          sbuf, dbuf, rows_v, accum, gsem, ssem):
        cid = lax.axis_index("c")
        sid = lax.axis_index("s")
        wid = sid * NC + cid

        def zrow(i, carry):
            for c in range(D // 16):
                rows_v[0, i, pl.ds(c * 16, 16)] = jnp.zeros((16,),
                                                            jnp.float32)
            return carry

        lax.fori_loop(0, ZROWS, zrow, 0)
        r0 = pl.multiple_of(sid * RPT, 8)
        zsrc = rows_v.at[0, pl.ds(0, ZROWS)]
        for q in range(RPT // ZROWS):
            pltpu.async_copy(zsrc, accum.at[pl.ds(r0 + q * ZROWS, ZROWS)],
                             ssem)

        @pl.when(sid == 0)
        def _():
            pltpu.async_copy(rows_v.at[0, pl.ds(0, TAIL)],
                             accum.at[pl.ds(NS * RPT, TAIL)], ssem)

        for q in range(RPT // ZROWS):
            pltpu.make_async_copy(zsrc,
                                  accum.at[pl.ds(r0 + q * ZROWS, ZROWS)],
                                  ssem).wait()

        @pl.when(sid == 0)
        def _():
            pltpu.make_async_copy(rows_v.at[0, pl.ds(0, TAIL)],
                                  accum.at[pl.ds(NS * RPT, TAIL)],
                                  ssem).wait()

        plsc.subcore_barrier()

        base = wid * GPW

        def fire_gather(s, bsel, q):
            pltpu.async_copy(feat_hbm.at[sbuf.at[bsel, q]],
                             rows_v.at[s], gsem)

        def drain_gather(s):
            pltpu.make_async_copy(feat_hbm.at[sbuf.at[0, 0]],
                                  rows_v.at[s], gsem).wait()

        def fire_scatter(s, bsel, q):
            pltpu.async_copy(rows_v.at[s], accum.at[dbuf.at[bsel, q]],
                             ssem, add=True)

        def drain_scatter(s):
            pltpu.make_async_copy(rows_v.at[s], accum.at[dbuf.at[0, 0]],
                                  ssem).wait()

        pltpu.sync_copy(ei_hbm.at[0, pl.ds(pl.multiple_of(base, 8), BLK)],
                        sbuf.at[0])
        pltpu.sync_copy(ei_hbm.at[1, pl.ds(pl.multiple_of(base, 8), BLK)],
                        dbuf.at[0])
        for q in range(NSLOT):
            fire_gather(q, 0, q)

        def body(h, carry):
            nb = h + 1

            @pl.when(nb < NBLOCKS)
            def _():
                bsel_n = lax.rem(nb, 2)
                roff = pl.multiple_of(base + nb * BLK, 8)
                pltpu.sync_copy(ei_hbm.at[0, pl.ds(roff, BLK)],
                                sbuf.at[bsel_n])
                pltpu.sync_copy(ei_hbm.at[1, pl.ds(roff, BLK)],
                                dbuf.at[bsel_n])

            bcur = lax.rem(h, 2)
            bnext = lax.rem(h + 1, 2)
            for qq in range(BLK):
                s = qq % NSLOT
                drain_gather(s)
                fire_scatter(s, bcur, qq)
                drain_scatter(s)
                nxt_q = (qq + NSLOT) % BLK
                nxt_b = bcur if qq < BLK - NSLOT else bnext

                @pl.when(BLK * h + qq + NSLOT < GPW)
                def _(s=s, nxt_b=nxt_b, nxt_q=nxt_q):
                    fire_gather(s, nxt_b, nxt_q)

            return carry

        lax.fori_loop(0, NBLOCKS, body, 0)
        plsc.subcore_barrier()

        pltpu.sync_copy(accum.at[pl.ds(r0, RPT)],
                        out_hbm.at[cid, pl.ds(r0, RPT)])

        @pl.when(sid == 0)
        def _():
            pltpu.sync_copy(accum.at[pl.ds(NS * RPT, TAIL)],
                            out_hbm.at[cid, pl.ds(NS * RPT, TAIL)])

    return k(features, ei)


def _tc_finish(parts, features, W1, W2):
    def body(p_ref, x_ref, w1_ref, w2_ref, o_ref):
        ns = p_ref[0] + p_ref[1]
        x = x_ref[...]
        y = jnp.dot(ns + x, w1_ref[...], preferred_element_type=jnp.float32)
        y = y + jnp.dot(ns * x, w2_ref[...], preferred_element_type=jnp.float32)
        o_ref[...] = jnp.where(y >= 0, y, 0.2 * y)

    return pl.pallas_call(
        body,
        grid=(N // ROW_BLOCK,),
        in_specs=[
            pl.BlockSpec((2, ROW_BLOCK, D), lambda i: (0, i, 0)),
            pl.BlockSpec((ROW_BLOCK, D), lambda i: (i, 0)),
            pl.BlockSpec((D, D), lambda i: (0, 0)),
            pl.BlockSpec((D, D), lambda i: (0, 0)),
        ],
        out_specs=pl.BlockSpec((ROW_BLOCK, D), lambda i: (i, 0)),
        out_shape=jax.ShapeDtypeStruct((N, D), jnp.float32),
    )(parts, features, W1, W2)


def kernel(features, edge_index, W1, W2):
    ei = edge_index.reshape(2, NCROWS, CHUNK)
    parts = _sc_neigh_sum(features, ei)
    return _tc_finish(parts, features, W1, W2)

# --- scband reference (transcript-rebuilt; emitter-appended) ---
"""Pipeline reference for scband-grec-layer-1683627180108 (READ-ONLY COPY).

The authoritative reference and input builder live on the scoring server;
editing this copy changes nothing except your own understanding.
"""

import jax, jax.numpy as jnp
import numpy as np

N = 10000
E = 320000
D = 128
OUT = 128


def setup_inputs(seed: int = 0) -> dict:
    key = jax.random.key(seed)
    k1, k2, k3, k4 = jax.random.split(key, 4)
    features = jax.random.normal(k1, (N, D), dtype=jnp.float32)
    edge_index = jax.random.randint(k2, (2, E), 0, N, dtype=jnp.int32)
    W1 = jax.random.normal(k3, (D, OUT), dtype=jnp.float32) * (1.0 / np.sqrt(D))
    W2 = jax.random.normal(k4, (D, OUT), dtype=jnp.float32) * (1.0 / np.sqrt(D))
    return {"features": features, "edge_index": edge_index, "W1": W1, "W2": W2}


def reference(features, edge_index, W1, W2):
    # A @ features via gather + scatter-add (sparse adjacency matmul)
    src = edge_index[0]
    dst = edge_index[1]
    msg = jnp.take(features, src, axis=0)                      # gather: [E, D]
    neigh_sum = jax.ops.segment_sum(msg, dst, num_segments=N)  # scatter-add: [N, D]
    # get_adjacency(add_eye='after') @ features == A @ features + features
    aggregated_features = neigh_sum + features
    # get_adjacency(add_eye='none') @ features, then elementwise mult with features
    neighbor_features = neigh_sum * features
    # bias=False -> b = 0; dropout=0 -> identity
    out = jax.nn.leaky_relu(aggregated_features @ W1 + neighbor_features @ W2,
                            negative_slope=0.2)
    return out

if __name__ == "__main__":
    import jax
    _d = setup_inputs()
    print(jax.jit(kernel)(*tuple(_d.values())))

</pallas_src>

<mosaic_0001>
#map = affine_map<(d0, d1) -> (0, 0)>
#map1 = affine_map<(d0, d1) -> (0, 0, 0)>
module attributes {stable_mosaic.version = 14 : i64} {
  func.func @k(%arg0: i32, %arg1: i32, %arg2: memref<10000x128xf32, #tpu.memory_space<hbm>>, %arg3: memref<2x2560x125xi32, #tpu.memory_space<hbm>>, %arg4: memref<2x10000x128xf32, #tpu.memory_space<hbm>>, %arg5: memref<2x8x125xi32, #tpu.memory_space<vmem>>, %arg6: memref<2x8x125xi32, #tpu.memory_space<vmem>>, %arg7: memref<2x125x128xf32, #tpu.memory_space<vmem>>, %arg8: memref<10000x128xf32, #tpu.memory_space<vmem_shared>>, %arg9: memref<!tpu.dma_semaphore, #tpu.memory_space<semaphore_mem>>, %arg10: memref<!tpu.dma_semaphore, #tpu.memory_space<semaphore_mem>>) attributes {dimension_semantics = [#tpu.dimension_semantics<core_parallel>, #tpu.dimension_semantics<subcore_parallel>], iteration_bounds = array<i64: 2, 16>, scalar_prefetch = 0 : i64, scratch_operands = 6 : i64, tpu.core_type = #tpu.core_type<sc_vector_subcore>, window_params = [{transform_indices = #map}, {transform_indices = #map1}, {transform_indices = #map1}]} {
    %mul3A = arith.constant 2 : i32
    %mul3A_0 = arith.muli %arg1, %mul3A : i32
    %add3A = arith.addi %mul3A_0, %arg0 : i32
    %scan3A = arith.constant 0 : i32
    %scan3A_1 = arith.constant 0 : i32
    %scan3A_2 = arith.constant 104 : i32
    %scan3A_3 = arith.addi %scan3A_1, %scan3A_2 : i32
    %scan3A_4 = arith.constant 1 : i32
    scf.for %scan3A_238 = %scan3A_1 to %scan3A_3 step %scan3A_4  : i32 {
      %broadcast_in_dim3A = arith.constant 0.000000e+00 : f32
      %broadcast_in_dim3A_239 = vector.broadcast %broadcast_in_dim3A : f32 to vector<16xf32>
      %swap3A = arith.constant 0 : i32
      %swap3A_240 = arith.index_cast %swap3A : i32 to index
      %swap3A_241 = arith.index_cast %scan3A_238 : i32 to index
      %swap3A_242 = arith.constant 0 : index
      %swap3A_243 = tpu.vector_load %arg7[%swap3A_240, %swap3A_241, %swap3A_242] {strides = array<i32>} : memref<2x125x128xf32, #tpu.memory_space<vmem>>, vector<1x1x16xf32>,
      %swap3A_244 = vector.shape_cast %swap3A_243 : vector<1x1x16xf32> to vector<16xf32>
      %swap3A_245 = vector.shape_cast %broadcast_in_dim3A_239 : vector<16xf32> to vector<1x1x16xf32>
      tpu.vector_store %arg7[%swap3A_240, %swap3A_241, %swap3A_242], %swap3A_245 {strides = array<i32>} : memref<2x125x128xf32, #tpu.memory_space<vmem>>, vector<1x1x16xf32>,
      %broadcast_in_dim3A_246 = arith.constant 0.000000e+00 : f32
      %broadcast_in_dim3A_247 = vector.broadcast %broadcast_in_dim3A_246 : f32 to vector<16xf32>
      %swap3A_248 = arith.constant 0 : i32
      %swap3A_249 = arith.index_cast %swap3A_248 : i32 to index
      %swap3A_250 = arith.index_cast %scan3A_238 : i32 to index
      %swap3A_251 = arith.constant 16 : index
      %swap3A_252 = tpu.vector_load %arg7[%swap3A_249, %swap3A_250, %swap3A_251] {strides = array<i32>} : memref<2x125x128xf32, #tpu.memory_space<vmem>>, vector<1x1x16xf32>,
      %swap3A_253 = vector.shape_cast %swap3A_252 : vector<1x1x16xf32> to vector<16xf32>
      %swap3A_254 = vector.shape_cast %broadcast_in_dim3A_247 : vector<16xf32> to vector<1x1x16xf32>
      tpu.vector_store %arg7[%swap3A_249, %swap3A_250, %swap3A_251], %swap3A_254 {strides = array<i32>} : memref<2x125x128xf32, #tpu.memory_space<vmem>>, vector<1x1x16xf32>,
      %broadcast_in_dim3A_255 = arith.constant 0.000000e+00 : f32
      %broadcast_in_dim3A_256 = vector.broadcast %broadcast_in_dim3A_255 : f32 to vector<16xf32>
      %swap3A_257 = arith.constant 0 : i32
      %swap3A_258 = arith.index_cast %swap3A_257 : i32 to index
      %swap3A_259 = arith.index_cast %scan3A_238 : i32 to index
      %swap3A_260 = arith.constant 32 : index
      %swap3A_261 = tpu.vector_load %arg7[%swap3A_258, %swap3A_259, %swap3A_260] {strides = array<i32>} : memref<2x125x128xf32, #tpu.memory_space<vmem>>, vector<1x1x16xf32>,
      %swap3A_262 = vector.shape_cast %swap3A_261 : vector<1x1x16xf32> to vector<16xf32>
      %swap3A_263 = vector.shape_cast %broadcast_in_dim3A_256 : vector<16xf32> to vector<1x1x16xf32>
      tpu.vector_store %arg7[%swap3A_258, %swap3A_259, %swap3A_260], %swap3A_263 {strides = array<i32>} : memref<2x125x128xf32, #tpu.memory_space<vmem>>, vector<1x1x16xf32>,
      %broadcast_in_dim3A_264 = arith.constant 0.000000e+00 : f32
      %broadcast_in_dim3A_265 = vector.broadcast %broadcast_in_dim3A_264 : f32 to vector<16xf32>
      %swap3A_266 = arith.constant 0 : i32
      %swap3A_267 = arith.index_cast %swap3A_266 : i32 to index
      %swap3A_268 = arith.index_cast %scan3A_238 : i32 to index
      %swap3A_269 = arith.constant 48 : index
      %swap3A_270 = tpu.vector_load %arg7[%swap3A_267, %swap3A_268, %swap3A_269] {strides = array<i32>} : memref<2x125x128xf32, #tpu.memory_space<vmem>>, vector<1x1x16xf32>,
      %swap3A_271 = vector.shape_cast %swap3A_270 : vector<1x1x16xf32> to vector<16xf32>
      %swap3A_272 = vector.shape_cast %broadcast_in_dim3A_265 : vector<16xf32> to vector<1x1x16xf32>
      tpu.vector_store %arg7[%swap3A_267, %swap3A_268, %swap3A_269], %swap3A_272 {strides = array<i32>} : memref<2x125x128xf32, #tpu.memory_space<vmem>>, vector<1x1x16xf32>,
      %broadcast_in_dim3A_273 = arith.constant 0.000000e+00 : f32
      %broadcast_in_dim3A_274 = vector.broadcast %broadcast_in_dim3A_273 : f32 to vector<16xf32>
      %swap3A_275 = arith.constant 0 : i32
      %swap3A_276 = arith.index_cast %swap3A_275 : i32 to index
      %swap3A_277 = arith.index_cast %scan3A_238 : i32 to index
      %swap3A_278 = arith.constant 64 : index
      %swap3A_279 = tpu.vector_load %arg7[%swap3A_276, %swap3A_277, %swap3A_278] {strides = array<i32>} : memref<2x125x128xf32, #tpu.memory_space<vmem>>, vector<1x1x16xf32>,
      %swap3A_280 = vector.shape_cast %swap3A_279 : vector<1x1x16xf32> to vector<16xf32>
      %swap3A_281 = vector.shape_cast %broadcast_in_dim3A_274 : vector<16xf32> to vector<1x1x16xf32>
      tpu.vector_store %arg7[%swap3A_276, %swap3A_277, %swap3A_278], %swap3A_281 {strides = array<i32>} : memref<2x125x128xf32, #tpu.memory_space<vmem>>, vector<1x1x16xf32>,
      %broadcast_in_dim3A_282 = arith.constant 0.000000e+00 : f32
      %broadcast_in_dim3A_283 = vector.broadcast %broadcast_in_dim3A_282 : f32 to vector<16xf32>
      %swap3A_284 = arith.constant 0 : i32
      %swap3A_285 = arith.index_cast %swap3A_284 : i32 to index
      %swap3A_286 = arith.index_cast %scan3A_238 : i32 to index
      %swap3A_287 = arith.constant 80 : index
      %swap3A_288 = tpu.vector_load %arg7[%swap3A_285, %swap3A_286, %swap3A_287] {strides = array<i32>} : memref<2x125x128xf32, #tpu.memory_space<vmem>>, vector<1x1x16xf32>,
      %swap3A_289 = vector.shape_cast %swap3A_288 : vector<1x1x16xf32> to vector<16xf32>
      %swap3A_290 = vector.shape_cast %broadcast_in_dim3A_283 : vector<16xf32> to vector<1x1x16xf32>
      tpu.vector_store %arg7[%swap3A_285, %swap3A_286, %swap3A_287], %swap3A_290 {strides = array<i32>} : memref<2x125x128xf32, #tpu.memory_space<vmem>>, vector<1x1x16xf32>,
      %broadcast_in_dim3A_291 = arith.constant 0.000000e+00 : f32
      %broadcast_in_dim3A_292 = vector.broadcast %broadcast_in_dim3A_291 : f32 to vector<16xf32>
      %swap3A_293 = arith.constant 0 : i32
      %swap3A_294 = arith.index_cast %swap3A_293 : i32 to index
      %swap3A_295 = arith.index_cast %scan3A_238 : i32 to index
      %swap3A_296 = arith.constant 96 : index
      %swap3A_297 = tpu.vector_load %arg7[%swap3A_294, %swap3A_295, %swap3A_296] {strides = array<i32>} : memref<2x125x128xf32, #tpu.memory_space<vmem>>, vector<1x1x16xf32>,
      %swap3A_298 = vector.shape_cast %swap3A_297 : vector<1x1x16xf32> to vector<16xf32>
      %swap3A_299 = vector.shape_cast %broadcast_in_dim3A_292 : vector<16xf32> to vector<1x1x16xf32>
      tpu.vector_store %arg7[%swap3A_294, %swap3A_295, %swap3A_296], %swap3A_299 {strides = array<i32>} : memref<2x125x128xf32, #tpu.memory_space<vmem>>, vector<1x1x16xf32>,
      %broadcast_in_dim3A_300 = arith.constant 0.000000e+00 : f32
      %broadcast_in_dim3A_301 = vector.broadcast %broadcast_in_dim3A_300 : f32 to vector<16xf32>
      %swap3A_302 = arith.constant 0 : i32
      %swap3A_303 = arith.index_cast %swap3A_302 : i32 to index
      %swap3A_304 = arith.index_cast %scan3A_238 : i32 to index
      %swap3A_305 = arith.constant 112 : index
      %swap3A_306 = tpu.vector_load %arg7[%swap3A_303, %swap3A_304, %swap3A_305] {strides = array<i32>} : memref<2x125x128xf32, #tpu.memory_space<vmem>>, vector<1x1x16xf32>,
      %swap3A_307 = vector.shape_cast %swap3A_306 : vector<1x1x16xf32> to vector<16xf32>
      %swap3A_308 = vector.shape_cast %broadcast_in_dim3A_301 : vector<16xf32> to vector<1x1x16xf32>
      tpu.vector_store %arg7[%swap3A_303, %swap3A_304, %swap3A_305], %swap3A_308 {strides = array<i32>} : memref<2x125x128xf32, #tpu.memory_space<vmem>>, vector<1x1x16xf32>,
    }
    %scan3A_5 = arith.constant 104 : i32
    %mul3A_6 = arith.constant 624 : i32
    %mul3A_7 = arith.muli %arg1, %mul3A_6 : i32
    %multiple_of3A = tpu.assume_multiple %mul3A_7, 8 : i32
    %add3A_8 = arith.constant 0 : i32
    %add3A_9 = arith.addi %multiple_of3A, %add3A_8 : i32
    %dma_start3A = arith.constant 0 : i32
    %dma_start3A_10 = arith.constant 0 : i32
    %dma_start3A_11 = arith.constant 0 : i32
    %dma_start3A_12 = tpu.memref_slice %arg7[%dma_start3A, %dma_start3A_10, %dma_start3A_11] : memref<2x125x128xf32, #tpu.memory_space<vmem>> -> memref<1x104x128xf32, #tpu.memory_space<vmem>>
    %dma_start3A_13 = tpu.memref_squeeze %dma_start3A_12 : memref<1x104x128xf32, #tpu.memory_space<vmem>> -> memref<104x128xf32, #tpu.memory_space<vmem>>
    %dma_start3A_14 = arith.constant 0 : i32
    %dma_start3A_15 = tpu.memref_slice %arg8[%add3A_9, %dma_start3A_14] : memref<10000x128xf32, #tpu.memory_space<vmem_shared>> -> memref<104x128xf32, #tpu.memory_space<vmem_shared>>
    %dma_start3A_16 = arith.constant 0 : i32
    %dma_start3A_17 = tpu.memref_slice %arg8[%add3A_9, %dma_start3A_16] : memref<10000x128xf32, #tpu.memory_space<vmem_shared>> -> memref<104x128xf32, #tpu.memory_space<vmem_shared>>
    %dma_start3A_18 = arith.constant 0 : i32
    %dma_start3A_19 = arith.constant 0 : i32
    %dma_start3A_20 = tpu.memref_slice %arg7[%dma_start3A, %dma_start3A_18, %dma_start3A_19] : memref<2x125x128xf32, #tpu.memory_space<vmem>> -> memref<1x104x128xf32, #tpu.memory_space<vmem>>
    %dma_start3A_21 = tpu.memref_squeeze %dma_start3A_20 : memref<1x104x128xf32, #tpu.memory_space<vmem>> -> memref<104x128xf32, #tpu.memory_space<vmem>>
    tpu.enqueue_dma source(%dma_start3A_21 : memref<104x128xf32, #tpu.memory_space<vmem>>) target(%dma_start3A_17 : memref<104x128xf32, #tpu.memory_space<vmem_shared>>) target_semaphore(%arg10 : memref<!tpu.dma_semaphore, #tpu.memory_space<semaphore_mem>>)
    %add3A_22 = arith.constant 104 : i32
    %add3A_23 = arith.addi %multiple_of3A, %add3A_22 : i32
    %dma_start3A_24 = arith.constant 0 : i32
    %dma_start3A_25 = arith.constant 0 : i32
    %dma_start3A_26 = arith.constant 0 : i32
    %dma_start3A_27 = tpu.memref_slice %arg7[%dma_start3A_24, %dma_start3A_25, %dma_start3A_26] : memref<2x125x128xf32, #tpu.memory_space<vmem>> -> memref<1x104x128xf32, #tpu.memory_space<vmem>>
    %dma_start3A_28 = tpu.memref_squeeze %dma_start3A_27 : memref<1x104x128xf32, #tpu.memory_space<vmem>> -> memref<104x128xf32, #tpu.memory_space<vmem>>
    %dma_start3A_29 = arith.constant 0 : i32
    %dma_start3A_30 = tpu.memref_slice %arg8[%add3A_23, %dma_start3A_29] : memref<10000x128xf32, #tpu.memory_space<vmem_shared>> -> memref<104x128xf32, #tpu.memory_space<vmem_shared>>
    %dma_start3A_31 = arith.constant 0 : i32
    %dma_start3A_32 = tpu.memref_slice %arg8[%add3A_23, %dma_start3A_31] : memref<10000x128xf32, #tpu.memory_space<vmem_shared>> -> memref<104x128xf32, #tpu.memory_space<vmem_shared>>
    %dma_start3A_33 = arith.constant 0 : i32
    %dma_start3A_34 = arith.constant 0 : i32
    %dma_start3A_35 = tpu.memref_slice %arg7[%dma_start3A_24, %dma_start3A_33, %dma_start3A_34] : memref<2x125x128xf32, #tpu.memory_space<vmem>> -> memref<1x104x128xf32, #tpu.memory_space<vmem>>
    %dma_start3A_36 = tpu.memref_squeeze %dma_start3A_35 : memref<1x104x128xf32, #tpu.memory_space<vmem>> -> memref<104x128xf32, #tpu.memory_space<vmem>>
    tpu.enqueue_dma source(%dma_start3A_36 : memref<104x128xf32, #tpu.memory_space<vmem>>) target(%dma_start3A_32 : memref<104x128xf32, #tpu.memory_space<vmem_shared>>) target_semaphore(%arg10 : memref<!tpu.dma_semaphore, #tpu.memory_space<semaphore_mem>>)
    %add3A_37 = arith.constant 208 : i32
    %add3A_38 = arith.addi %multiple_of3A, %add3A_37 : i32
    %dma_start3A_39 = arith.constant 0 : i32
    %dma_start3A_40 = arith.constant 0 : i32
    %dma_start3A_41 = arith.constant 0 : i32
    %dma_start3A_42 = tpu.memref_slice %arg7[%dma_start3A_39, %dma_start3A_40, %dma_start3A_41] : memref<2x125x128xf32, #tpu.memory_space<vmem>> -> memref<1x104x128xf32, #tpu.memory_space<vmem>>
    %dma_start3A_43 = tpu.memref_squeeze %dma_start3A_42 : memref<1x104x128xf32, #tpu.memory_space<vmem>> -> memref<104x128xf32, #tpu.memory_space<vmem>>
    %dma_start3A_44 = arith.constant 0 : i32
    %dma_start3A_45 = tpu.memref_slice %arg8[%add3A_38, %dma_start3A_44] : memref<10000x128xf32, #tpu.memory_space<vmem_shared>> -> memref<104x128xf32, #tpu.memory_space<vmem_shared>>
    %dma_start3A_46 = arith.constant 0 : i32
    %dma_start3A_47 = tpu.memref_slice %arg8[%add3A_38, %dma_start3A_46] : memref<10000x128xf32, #tpu.memory_space<vmem_shared>> -> memref<104x128xf32, #tpu.memory_space<vmem_shared>>
    %dma_start3A_48 = arith.constant 0 : i32
    %dma_start3A_49 = arith.constant 0 : i32
    %dma_start3A_50 = tpu.memref_slice %arg7[%dma_start3A_39, %dma_start3A_48, %dma_start3A_49] : memref<2x125x128xf32, #tpu.memory_space<vmem>> -> memref<1x104x128xf32, #tpu.memory_space<vmem>>
    %dma_start3A_51 = tpu.memref_squeeze %dma_start3A_50 : memref<1x104x128xf32, #tpu.memory_space<vmem>> -> memref<104x128xf32, #tpu.memory_space<vmem>>
    tpu.enqueue_dma source(%dma_start3A_51 : memref<104x128xf32, #tpu.memory_space<vmem>>) target(%dma_start3A_47 : memref<104x128xf32, #tpu.memory_space<vmem_shared>>) target_semaphore(%arg10 : memref<!tpu.dma_semaphore, #tpu.memory_space<semaphore_mem>>)
    %add3A_52 = arith.constant 312 : i32
    %add3A_53 = arith.addi %multiple_of3A, %add3A_52 : i32
    %dma_start3A_54 = arith.constant 0 : i32
    %dma_start3A_55 = arith.constant 0 : i32
    %dma_start3A_56 = arith.constant 0 : i32
    %dma_start3A_57 = tpu.memref_slice %arg7[%dma_start3A_54, %dma_start3A_55, %dma_start3A_56] : memref<2x125x128xf32, #tpu.memory_space<vmem>> -> memref<1x104x128xf32, #tpu.memory_space<vmem>>
    %dma_start3A_58 = tpu.memref_squeeze %dma_start3A_57 : memref<1x104x128xf32, #tpu.memory_space<vmem>> -> memref<104x128xf32, #tpu.memory_space<vmem>>
    %dma_start3A_59 = arith.constant 0 : i32
    %dma_start3A_60 = tpu.memref_slice %arg8[%add3A_53, %dma_start3A_59] : memref<10000x128xf32, #tpu.memory_space<vmem_shared>> -> memref<104x128xf32, #tpu.memory_space<vmem_shared>>
    %dma_start3A_61 = arith.constant 0 : i32
    %dma_start3A_62 = tpu.memref_slice %arg8[%add3A_53, %dma_start3A_61] : memref<10000x128xf32, #tpu.memory_space<vmem_shared>> -> memref<104x128xf32, #tpu.memory_space<vmem_shared>>
    %dma_start3A_63 = arith.constant 0 : i32
    %dma_start3A_64 = arith.constant 0 : i32
    %dma_start3A_65 = tpu.memref_slice %arg7[%dma_start3A_54, %dma_start3A_63, %dma_start3A_64] : memref<2x125x128xf32, #tpu.memory_space<vmem>> -> memref<1x104x128xf32, #tpu.memory_space<vmem>>
    %dma_start3A_66 = tpu.memref_squeeze %dma_start3A_65 : memref<1x104x128xf32, #tpu.memory_space<vmem>> -> memref<104x128xf32, #tpu.memory_space<vmem>>
    tpu.enqueue_dma source(%dma_start3A_66 : memref<104x128xf32, #tpu.memory_space<vmem>>) target(%dma_start3A_62 : memref<104x128xf32, #tpu.memory_space<vmem_shared>>) target_semaphore(%arg10 : memref<!tpu.dma_semaphore, #tpu.memory_space<semaphore_mem>>)
    %add3A_67 = arith.constant 416 : i32
    %add3A_68 = arith.addi %multiple_of3A, %add3A_67 : i32
    %dma_start3A_69 = arith.constant 0 : i32
    %dma_start3A_70 = arith.constant 0 : i32
    %dma_start3A_71 = arith.constant 0 : i32
    %dma_start3A_72 = tpu.memref_slice %arg7[%dma_start3A_69, %dma_start3A_70, %dma_start3A_71] : memref<2x125x128xf32, #tpu.memory_space<vmem>> -> memref<1x104x128xf32, #tpu.memory_space<vmem>>
    %dma_start3A_73 = tpu.memref_squeeze %dma_start3A_72 : memref<1x104x128xf32, #tpu.memory_space<vmem>> -> memref<104x128xf32, #tpu.memory_space<vmem>>
    %dma_start3A_74 = arith.constant 0 : i32
    %dma_start3A_75 = tpu.memref_slice %arg8[%add3A_68, %dma_start3A_74] : memref<10000x128xf32, #tpu.memory_space<vmem_shared>> -> memref<104x128xf32, #tpu.memory_space<vmem_shared>>
    %dma_start3A_76 = arith.constant 0 : i32
    %dma_start3A_77 = tpu.memref_slice %arg8[%add3A_68, %dma_start3A_76] : memref<10000x128xf32, #tpu.memory_space<vmem_shared>> -> memref<104x128xf32, #tpu.memory_space<vmem_shared>>
    %dma_start3A_78 = arith.constant 0 : i32
    %dma_start3A_79 = arith.constant 0 : i32
    %dma_start3A_80 = tpu.memref_slice %arg7[%dma_start3A_69, %dma_start3A_78, %dma_start3A_79] : memref<2x125x128xf32, #tpu.memory_space<vmem>> -> memref<1x104x128xf32, #tpu.memory_space<vmem>>
    %dma_start3A_81 = tpu.memref_squeeze %dma_start3A_80 : memref<1x104x128xf32, #tpu.memory_space<vmem>> -> memref<104x128xf32, #tpu.memory_space<vmem>>
    tpu.enqueue_dma source(%dma_start3A_81 : memref<104x128xf32, #tpu.memory_space<vmem>>) target(%dma_start3A_77 : memref<104x128xf32, #tpu.memory_space<vmem_shared>>) target_semaphore(%arg10 : memref<!tpu.dma_semaphore, #tpu.memory_space<semaphore_mem>>)
    %add3A_82 = arith.constant 520 : i32
    %add3A_83 = arith.addi %multiple_of3A, %add3A_82 : i32
    %dma_start3A_84 = arith.constant 0 : i32
    %dma_start3A_85 = arith.constant 0 : i32
    %dma_start3A_86 = arith.constant 0 : i32
    %dma_start3A_87 = tpu.memref_slice %arg7[%dma_start3A_84, %dma_start3A_85, %dma_start3A_86] : memref<2x125x128xf32, #tpu.memory_space<vmem>> -> memref<1x104x128xf32, #tpu.memory_space<vmem>>
    %dma_start3A_88 = tpu.memref_squeeze %dma_start3A_87 : memref<1x104x128xf32, #tpu.memory_space<vmem>> -> memref<104x128xf32, #tpu.memory_space<vmem>>
    %dma_start3A_89 = arith.constant 0 : i32
    %dma_start3A_90 = tpu.memref_slice %arg8[%add3A_83, %dma_start3A_89] : memref<10000x128xf32, #tpu.memory_space<vmem_shared>> -> memref<104x128xf32, #tpu.memory_space<vmem_shared>>
    %dma_start3A_91 = arith.constant 0 : i32
    %dma_start3A_92 = tpu.memref_slice %arg8[%add3A_83, %dma_start3A_91] : memref<10000x128xf32, #tpu.memory_space<vmem_shared>> -> memref<104x128xf32, #tpu.memory_space<vmem_shared>>
    %dma_start3A_93 = arith.constant 0 : i32
    %dma_start3A_94 = arith.constant 0 : i32
    %dma_start3A_95 = tpu.memref_slice %arg7[%dma_start3A_84, %dma_start3A_93, %dma_start3A_94] : memref<2x125x128xf32, #tpu.memory_space<vmem>> -> memref<1x104x128xf32, #tpu.memory_space<vmem>>
    %dma_start3A_96 = tpu.memref_squeeze %dma_start3A_95 : memref<1x104x128xf32, #tpu.memory_space<vmem>> -> memref<104x128xf32, #tpu.memory_space<vmem>>
    tpu.enqueue_dma source(%dma_start3A_96 : memref<104x128xf32, #tpu.memory_space<vmem>>) target(%dma_start3A_92 : memref<104x128xf32, #tpu.memory_space<vmem_shared>>) target_semaphore(%arg10 : memref<!tpu.dma_semaphore, #tpu.memory_space<semaphore_mem>>)
    %eq3A = arith.constant 0 : i32
    %eq3A_97 = arith.cmpi eq, %arg1, %eq3A : i32
    %convert_element_type3A = arith.extui %eq3A_97 : i1 to i32
    %cond3A = arith.constant 0 : i32
    %cond3A_98 = arith.cmpi ne, %convert_element_type3A, %cond3A : i32
    scf.if %cond3A_98 {
      %dma_start3A_238 = arith.constant 0 : i32
      %dma_start3A_239 = arith.constant 0 : i32
      %dma_start3A_240 = arith.constant 0 : i32
      %dma_start3A_241 = tpu.memref_slice %arg7[%dma_start3A_238, %dma_start3A_239, %dma_start3A_240] : memref<2x125x128xf32, #tpu.memory_space<vmem>> -> memref<1x16x128xf32, #tpu.memory_space<vmem>>
      %dma_start3A_242 = tpu.memref_squeeze %dma_start3A_241 : memref<1x16x128xf32, #tpu.memory_space<vmem>> -> memref<16x128xf32, #tpu.memory_space<vmem>>
      %dma_start3A_243 = arith.constant 9984 : i32
      %dma_start3A_244 = arith.constant 0 : i32
      %dma_start3A_245 = tpu.memref_slice %arg8[%dma_start3A_243, %dma_start3A_244] : memref<10000x128xf32, #tpu.memory_space<vmem_shared>> -> memref<16x128xf32, #tpu.memory_space<vmem_shared>>
      %dma_start3A_246 = arith.constant 9984 : i32
      %dma_start3A_247 = arith.constant 0 : i32
      %dma_start3A_248 = tpu.memref_slice %arg8[%dma_start3A_246, %dma_start3A_247] : memref<10000x128xf32, #tpu.memory_space<vmem_shared>> -> memref<16x128xf32, #tpu.memory_space<vmem_shared>>
      %dma_start3A_249 = arith.constant 0 : i32
      %dma_start3A_250 = arith.constant 0 : i32
      %dma_start3A_251 = tpu.memref_slice %arg7[%dma_start3A_238, %dma_start3A_249, %dma_start3A_250] : memref<2x125x128xf32, #tpu.memory_space<vmem>> -> memref<1x16x128xf32, #tpu.memory_space<vmem>>
      %dma_start3A_252 = tpu.memref_squeeze %dma_start3A_251 : memref<1x16x128xf32, #tpu.memory_space<vmem>> -> memref<16x128xf32, #tpu.memory_space<vmem>>
      tpu.enqueue_dma source(%dma_start3A_252 : memref<16x128xf32, #tpu.memory_space<vmem>>) target(%dma_start3A_248 : memref<16x128xf32, #tpu.memory_space<vmem_shared>>) target_semaphore(%arg10 : memref<!tpu.dma_semaphore, #tpu.memory_space<semaphore_mem>>)
    } else {
    }
    %add3A_99 = arith.constant 0 : i32
    %add3A_100 = arith.addi %multiple_of3A, %add3A_99 : i32
    %dma_wait3A = arith.constant 0 : i32
    %dma_wait3A_101 = arith.constant 0 : i32
    %dma_wait3A_102 = arith.constant 0 : i32
    %dma_wait3A_103 = tpu.memref_slice %arg7[%dma_wait3A, %dma_wait3A_101, %dma_wait3A_102] : memref<2x125x128xf32, #tpu.memory_space<vmem>> -> memref<1x104x128xf32, #tpu.memory_space<vmem>>
    %dma_wait3A_104 = tpu.memref_squeeze %dma_wait3A_103 : memref<1x104x128xf32, #tpu.memory_space<vmem>> -> memref<104x128xf32, #tpu.memory_space<vmem>>
    %dma_wait3A_105 = arith.constant 0 : i32
    %dma_wait3A_106 = tpu.memref_slice %arg8[%add3A_100, %dma_wait3A_105] : memref<10000x128xf32, #tpu.memory_space<vmem_shared>> -> memref<104x128xf32, #tpu.memory_space<vmem_shared>>
    %dma_wait3A_107 = arith.constant 0 : i32
    %dma_wait3A_108 = tpu.memref_slice %arg8[%add3A_100, %dma_wait3A_107] : memref<10000x128xf32, #tpu.memory_space<vmem_shared>> -> memref<104x128xf32, #tpu.memory_space<vmem_shared>>
    %dma_wait3A_109 = arith.constant 0 : i32
    %dma_wait3A_110 = arith.constant 0 : i32
    %dma_wait3A_111 = tpu.memref_slice %arg7[%dma_wait3A, %dma_wait3A_109, %dma_wait3A_110] : memref<2x125x128xf32, #tpu.memory_space<vmem>> -> memref<1x104x128xf32, #tpu.memory_space<vmem>>
    %dma_wait3A_112 = tpu.memref_squeeze %dma_wait3A_111 : memref<1x104x128xf32, #tpu.memory_space<vmem>> -> memref<104x128xf32, #tpu.memory_space<vmem>>
    tpu.wait_dma2 semaphore(%arg10 : memref<!tpu.dma_semaphore, #tpu.memory_space<semaphore_mem>>) src(%dma_wait3A_112 : memref<104x128xf32, #tpu.memory_space<vmem>>) dst(%dma_wait3A_108 : memref<104x128xf32, #tpu.memory_space<vmem_shared>>)
    %add3A_113 = arith.constant 104 : i32
    %add3A_114 = arith.addi %multiple_of3A, %add3A_113 : i32
    %dma_wait3A_115 = arith.constant 0 : i32
    %dma_wait3A_116 = arith.constant 0 : i32
    %dma_wait3A_117 = arith.constant 0 : i32
    %dma_wait3A_118 = tpu.memref_slice %arg7[%dma_wait3A_115, %dma_wait3A_116, %dma_wait3A_117] : memref<2x125x128xf32, #tpu.memory_space<vmem>> -> memref<1x104x128xf32, #tpu.memory_space<vmem>>
    %dma_wait3A_119 = tpu.memref_squeeze %dma_wait3A_118 : memref<1x104x128xf32, #tpu.memory_space<vmem>> -> memref<104x128xf32, #tpu.memory_space<vmem>>
    %dma_wait3A_120 = arith.constant 0 : i32
    %dma_wait3A_121 = tpu.memref_slice %arg8[%add3A_114, %dma_wait3A_120] : memref<10000x128xf32, #tpu.memory_space<vmem_shared>> -> memref<104x128xf32, #tpu.memory_space<vmem_shared>>
    %dma_wait3A_122 = arith.constant 0 : i32
    %dma_wait3A_123 = tpu.memref_slice %arg8[%add3A_114, %dma_wait3A_122] : memref<10000x128xf32, #tpu.memory_space<vmem_shared>> -> memref<104x128xf32, #tpu.memory_space<vmem_shared>>
    %dma_wait3A_124 = arith.constant 0 : i32
    %dma_wait3A_125 = arith.constant 0 : i32
    %dma_wait3A_126 = tpu.memref_slice %arg7[%dma_wait3A_115, %dma_wait3A_124, %dma_wait3A_125] : memref<2x125x128xf32, #tpu.memory_space<vmem>> -> memref<1x104x128xf32, #tpu.memory_space<vmem>>
    %dma_wait3A_127 = tpu.memref_squeeze %dma_wait3A_126 : memref<1x104x128xf32, #tpu.memory_space<vmem>> -> memref<104x128xf32, #tpu.memory_space<vmem>>
    tpu.wait_dma2 semaphore(%arg10 : memref<!tpu.dma_semaphore, #tpu.memory_space<semaphore_mem>>) src(%dma_wait3A_127 : memref<104x128xf32, #tpu.memory_space<vmem>>) dst(%dma_wait3A_123 : memref<104x128xf32, #tpu.memory_space<vmem_shared>>)
    %add3A_128 = arith.constant 208 : i32
    %add3A_129 = arith.addi %multiple_of3A, %add3A_128 : i32
    %dma_wait3A_130 = arith.constant 0 : i32
    %dma_wait3A_131 = arith.constant 0 : i32
    %dma_wait3A_132 = arith.constant 0 : i32
    %dma_wait3A_133 = tpu.memref_slice %arg7[%dma_wait3A_130, %dma_wait3A_131, %dma_wait3A_132] : memref<2x125x128xf32, #tpu.memory_space<vmem>> -> memref<1x104x128xf32, #tpu.memory_space<vmem>>
    %dma_wait3A_134 = tpu.memref_squeeze %dma_wait3A_133 : memref<1x104x128xf32, #tpu.memory_space<vmem>> -> memref<104x128xf32, #tpu.memory_space<vmem>>
    %dma_wait3A_135 = arith.constant 0 : i32
    %dma_wait3A_136 = tpu.memref_slice %arg8[%add3A_129, %dma_wait3A_135] : memref<10000x128xf32, #tpu.memory_space<vmem_shared>> -> memref<104x128xf32, #tpu.memory_space<vmem_shared>>
    %dma_wait3A_137 = arith.constant 0 : i32
    %dma_wait3A_138 = tpu.memref_slice %arg8[%add3A_129, %dma_wait3A_137] : memref<10000x128xf32, #tpu.memory_space<vmem_shared>> -> memref<104x128xf32, #tpu.memory_space<vmem_shared>>
    %dma_wait3A_139 = arith.constant 0 : i32
    %dma_wait3A_140 = arith.constant 0 : i32
    %dma_wait3A_141 = tpu.memref_slice %arg7[%dma_wait3A_130, %dma_wait3A_139, %dma_wait3A_140] : memref<2x125x128xf32, #tpu.memory_space<vmem>> -> memref<1x104x128xf32, #tpu.memory_space<vmem>>
    %dma_wait3A_142 = tpu.memref_squeeze %dma_wait3A_141 : memref<1x104x128xf32, #tpu.memory_space<vmem>> -> memref<104x128xf32, #tpu.memory_space<vmem>>
    tpu.wait_dma2 semaphore(%arg10 : memref<!tpu.dma_semaphore, #tpu.memory_space<semaphore_mem>>) src(%dma_wait3A_142 : memref<104x128xf32, #tpu.memory_space<vmem>>) dst(%dma_wait3A_138 : memref<104x128xf32, #tpu.memory_space<vmem_shared>>)
    %add3A_143 = arith.constant 312 : i32
    %add3A_144 = arith.addi %multiple_of3A, %add3A_143 : i32
    %dma_wait3A_145 = arith.constant 0 : i32
    %dma_wait3A_146 = arith.constant 0 : i32
    %dma_wait3A_147 = arith.constant 0 : i32
    %dma_wait3A_148 = tpu.memref_slice %arg7[%dma_wait3A_145, %dma_wait3A_146, %dma_wait3A_147] : memref<2x125x128xf32, #tpu.memory_space<vmem>> -> memref<1x104x128xf32, #tpu.memory_space<vmem>>
    %dma_wait3A_149 = tpu.memref_squeeze %dma_wait3A_148 : memref<1x104x128xf32, #tpu.memory_space<vmem>> -> memref<104x128xf32, #tpu.memory_space<vmem>>
    %dma_wait3A_150 = arith.constant 0 : i32
    %dma_wait3A_151 = tpu.memref_slice %arg8[%add3A_144, %dma_wait3A_150] : memref<10000x128xf32, #tpu.memory_space<vmem_shared>> -> memref<104x128xf32, #tpu.memory_space<vmem_shared>>
    %dma_wait3A_152 = arith.constant 0 : i32
    %dma_wait3A_153 = tpu.memref_slice %arg8[%add3A_144, %dma_wait3A_152] : memref<10000x128xf32, #tpu.memory_space<vmem_shared>> -> memref<104x128xf32, #tpu.memory_space<vmem_shared>>
    %dma_wait3A_154 = arith.constant 0 : i32
    %dma_wait3A_155 = arith.constant 0 : i32
    %dma_wait3A_156 = tpu.memref_slice %arg7[%dma_wait3A_145, %dma_wait3A_154, %dma_wait3A_155] : memref<2x125x128xf32, #tpu.memory_space<vmem>> -> memref<1x104x128xf32, #tpu.memory_space<vmem>>
    %dma_wait3A_157 = tpu.memref_squeeze %dma_wait3A_156 : memref<1x104x128xf32, #tpu.memory_space<vmem>> -> memref<104x128xf32, #tpu.memory_space<vmem>>
    tpu.wait_dma2 semaphore(%arg10 : memref<!tpu.dma_semaphore, #tpu.memory_space<semaphore_mem>>) src(%dma_wait3A_157 : memref<104x128xf32, #tpu.memory_space<vmem>>) dst(%dma_wait3A_153 : memref<104x128xf32, #tpu.memory_space<vmem_shared>>)
    %add3A_158 = arith.constant 416 : i32
    %add3A_159 = arith.addi %multiple_of3A, %add3A_158 : i32
    %dma_wait3A_160 = arith.constant 0 : i32
    %dma_wait3A_161 = arith.constant 0 : i32
    %dma_wait3A_162 = arith.constant 0 : i32
    %dma_wait3A_163 = tpu.memref_slice %arg7[%dma_wait3A_160, %dma_wait3A_161, %dma_wait3A_162] : memref<2x125x128xf32, #tpu.memory_space<vmem>> -> memref<1x104x128xf32, #tpu.memory_space<vmem>>
    %dma_wait3A_164 = tpu.memref_squeeze %dma_wait3A_163 : memref<1x104x128xf32, #tpu.memory_space<vmem>> -> memref<104x128xf32, #tpu.memory_space<vmem>>
    %dma_wait3A_165 = arith.constant 0 : i32
    %dma_wait3A_166 = tpu.memref_slice %arg8[%add3A_159, %dma_wait3A_165] : memref<10000x128xf32, #tpu.memory_space<vmem_shared>> -> memref<104x128xf32, #tpu.memory_space<vmem_shared>>
    %dma_wait3A_167 = arith.constant 0 : i32
    %dma_wait3A_168 = tpu.memref_slice %arg8[%add3A_159, %dma_wait3A_167] : memref<10000x128xf32, #tpu.memory_space<vmem_shared>> -> memref<104x128xf32, #tpu.memory_space<vmem_shared>>
    %dma_wait3A_169 = arith.constant 0 : i32
    %dma_wait3A_170 = arith.constant 0 : i32
    %dma_wait3A_171 = tpu.memref_slice %arg7[%dma_wait3A_160, %dma_wait3A_169, %dma_wait3A_170] : memref<2x125x128xf32, #tpu.memory_space<vmem>> -> memref<1x104x128xf32, #tpu.memory_space<vmem>>
    %dma_wait3A_172 = tpu.memref_squeeze %dma_wait3A_171 : memref<1x104x128xf32, #tpu.memory_space<vmem>> -> memref<104x128xf32, #tpu.memory_space<vmem>>
    tpu.wait_dma2 semaphore(%arg10 : memref<!tpu.dma_semaphore, #tpu.memory_space<semaphore_mem>>) src(%dma_wait3A_172 : memref<104x128xf32, #tpu.memory_space<vmem>>) dst(%dma_wait3A_168 : memref<104x128xf32, #tpu.memory_space<vmem_shared>>)
    %add3A_173 = arith.constant 520 : i32
    %add3A_174 = arith.addi %multiple_of3A, %add3A_173 : i32
    %dma_wait3A_175 = arith.constant 0 : i32
    %dma_wait3A_176 = arith.constant 0 : i32
    %dma_wait3A_177 = arith.constant 0 : i32
    %dma_wait3A_178 = tpu.memref_slice %arg7[%dma_wait3A_175, %dma_wait3A_176, %dma_wait3A_177] : memref<2x125x128xf32, #tpu.memory_space<vmem>> -> memref<1x104x128xf32, #tpu.memory_space<vmem>>
    %dma_wait3A_179 = tpu.memref_squeeze %dma_wait3A_178 : memref<1x104x128xf32, #tpu.memory_space<vmem>> -> memref<104x128xf32, #tpu.memory_space<vmem>>
    %dma_wait3A_180 = arith.constant 0 : i32
    %dma_wait3A_181 = tpu.memref_slice %arg8[%add3A_174, %dma_wait3A_180] : memref<10000x128xf32, #tpu.memory_space<vmem_shared>> -> memref<104x128xf32, #tpu.memory_space<vmem_shared>>
    %dma_wait3A_182 = arith.constant 0 : i32
    %dma_wait3A_183 = tpu.memref_slice %arg8[%add3A_174, %dma_wait3A_182] : memref<10000x128xf32, #tpu.memory_space<vmem_shared>> -> memref<104x128xf32, #tpu.memory_space<vmem_shared>>
    %dma_wait3A_184 = arith.constant 0 : i32
    %dma_wait3A_185 = arith.constant 0 : i32
    %dma_wait3A_186 = tpu.memref_slice %arg7[%dma_wait3A_175, %dma_wait3A_184, %dma_wait3A_185] : memref<2x125x128xf32, #tpu.memory_space<vmem>> -> memref<1x104x128xf32, #tpu.memory_space<vmem>>
    %dma_wait3A_187 = tpu.memref_squeeze %dma_wait3A_186 : memref<1x104x128xf32, #tpu.memory_space<vmem>> -> memref<104x128xf32, #tpu.memory_space<vmem>>
    tpu.wait_dma2 semaphore(%arg10 : memref<!tpu.dma_semaphore, #tpu.memory_space<semaphore_mem>>) src(%dma_wait3A_187 : memref<104x128xf32, #tpu.memory_space<vmem>>) dst(%dma_wait3A_183 : memref<104x128xf32, #tpu.memory_space<vmem_shared>>)
    %eq3A_188 = arith.constant 0 : i32
    %eq3A_189 = arith.cmpi eq, %arg1, %eq3A_188 : i32
    %convert_element_type3A_190 = arith.extui %eq3A_189 : i1 to i32
    %cond3A_191 = arith.constant 0 : i32
    %cond3A_192 = arith.cmpi ne, %convert_element_type3A_190, %cond3A_191 : i32
    scf.if %cond3A_192 {
      %dma_wait3A_238 = arith.constant 0 : i32
      %dma_wait3A_239 = arith.constant 0 : i32
      %dma_wait3A_240 = arith.constant 0 : i32
      %dma_wait3A_241 = tpu.memref_slice %arg7[%dma_wait3A_238, %dma_wait3A_239, %dma_wait3A_240] : memref<2x125x128xf32, #tpu.memory_space<vmem>> -> memref<1x16x128xf32, #tpu.memory_space<vmem>>
      %dma_wait3A_242 = tpu.memref_squeeze %dma_wait3A_241 : memref<1x16x128xf32, #tpu.memory_space<vmem>> -> memref<16x128xf32, #tpu.memory_space<vmem>>
      %dma_wait3A_243 = arith.constant 9984 : i32
      %dma_wait3A_244 = arith.constant 0 : i32
      %dma_wait3A_245 = tpu.memref_slice %arg8[%dma_wait3A_243, %dma_wait3A_244] : memref<10000x128xf32, #tpu.memory_space<vmem_shared>> -> memref<16x128xf32, #tpu.memory_space<vmem_shared>>
      %dma_wait3A_246 = arith.constant 9984 : i32
      %dma_wait3A_247 = arith.constant 0 : i32
      %dma_wait3A_248 = tpu.memref_slice %arg8[%dma_wait3A_246, %dma_wait3A_247] : memref<10000x128xf32, #tpu.memory_space<vmem_shared>> -> memref<16x128xf32, #tpu.memory_space<vmem_shared>>
      %dma_wait3A_249 = arith.constant 0 : i32
      %dma_wait3A_250 = arith.constant 0 : i32
      %dma_wait3A_251 = tpu.memref_slice %arg7[%dma_wait3A_238, %dma_wait3A_249, %dma_wait3A_250] : memref<2x125x128xf32, #tpu.memory_space<vmem>> -> memref<1x16x128xf32, #tpu.memory_space<vmem>>
      %dma_wait3A_252 = tpu.memref_squeeze %dma_wait3A_251 : memref<1x16x128xf32, #tpu.memory_space<vmem>> -> memref<16x128xf32, #tpu.memory_space<vmem>>
      tpu.wait_dma2 semaphore(%arg10 : memref<!tpu.dma_semaphore, #tpu.memory_space<semaphore_mem>>) src(%dma_wait3A_252 : memref<16x128xf32, #tpu.memory_space<vmem>>) dst(%dma_wait3A_248 : memref<16x128xf32, #tpu.memory_space<vmem_shared>>)
    } else {
    }
    %barrier3A = arith.constant 0 : index
    tpu.barrier barrier_id(%barrier3A)
    %mul3A_193 = arith.constant 80 : i32
    %mul3A_194 = arith.muli %add3A, %mul3A_193 : i32
    %multiple_of3A_195 = tpu.assume_multiple %mul3A_194, 8 : i32
    %run_scoped3A = arith.constant 0 : i32
    %run_scoped3A_196 = arith.constant 0 : i32
    "tpu.region"() ({
      %run_scoped3A_238 = tpu.sem_alloc : memref<!tpu.dma_semaphore, #tpu.memory_space<semaphore_mem>>
      %dma_start3A_239 = arith.constant 0 : i32
      %dma_start3A_240 = arith.constant 0 : i32
      %dma_start3A_241 = tpu.memref_slice %arg5[%run_scoped3A_196, %dma_start3A_239, %dma_start3A_240] : memref<2x8x125xi32, #tpu.memory_space<vmem>> -> memref<1x8x125xi32, #tpu.memory_space<vmem>>
      %dma_start3A_242 = tpu.memref_squeeze %dma_start3A_241 : memref<1x8x125xi32, #tpu.memory_space<vmem>> -> memref<8x125xi32, #tpu.memory_space<vmem>>
      %dma_start3A_243 = arith.constant 0 : i32
      %dma_start3A_244 = tpu.memref_slice %arg3[%run_scoped3A, %multiple_of3A_195, %dma_start3A_243] : memref<2x2560x125xi32, #tpu.memory_space<hbm>> -> memref<1x8x125xi32, #tpu.memory_space<hbm>>
      %dma_start3A_245 = tpu.memref_squeeze %dma_start3A_244 : memref<1x8x125xi32, #tpu.memory_space<hbm>> -> memref<8x125xi32, #tpu.memory_space<hbm>>
      %dma_start3A_246 = arith.constant 0 : i32
      %dma_start3A_247 = arith.constant 0 : i32
      %dma_start3A_248 = tpu.memref_slice %arg5[%run_scoped3A_196, %dma_start3A_246, %dma_start3A_247] : memref<2x8x125xi32, #tpu.memory_space<vmem>> -> memref<1x8x125xi32, #tpu.memory_space<vmem>>
      %dma_start3A_249 = tpu.memref_squeeze %dma_start3A_248 : memref<1x8x125xi32, #tpu.memory_space<vmem>> -> memref<8x125xi32, #tpu.memory_space<vmem>>
      %dma_start3A_250 = arith.constant 0 : i32
      %dma_start3A_251 = tpu.memref_slice %arg3[%run_scoped3A, %multiple_of3A_195, %dma_start3A_250] : memref<2x2560x125xi32, #tpu.memory_space<hbm>> -> memref<1x8x125xi32, #tpu.memory_space<hbm>>
      %dma_start3A_252 = tpu.memref_squeeze %dma_start3A_251 : memref<1x8x125xi32, #tpu.memory_space<hbm>> -> memref<8x125xi32, #tpu.memory_space<hbm>>
      tpu.enqueue_dma source(%dma_start3A_252 : memref<8x125xi32, #tpu.memory_space<hbm>>) target(%dma_start3A_249 : memref<8x125xi32, #tpu.memory_space<vmem>>) target_semaphore(%run_scoped3A_238 : memref<!tpu.dma_semaphore, #tpu.memory_space<semaphore_mem>>)
      %dma_wait3A_253 = arith.constant 0 : i32
      %dma_wait3A_254 = arith.constant 0 : i32
      %dma_wait3A_255 = tpu.memref_slice %arg5[%run_scoped3A_196, %dma_wait3A_253, %dma_wait3A_254] : memref<2x8x125xi32, #tpu.memory_space<vmem>> -> memref<1x8x125xi32, #tpu.memory_space<vmem>>
      %dma_wait3A_256 = tpu.memref_squeeze %dma_wait3A_255 : memref<1x8x125xi32, #tpu.memory_space<vmem>> -> memref<8x125xi32, #tpu.memory_space<vmem>>
      %dma_wait3A_257 = arith.constant 0 : i32
      %dma_wait3A_258 = tpu.memref_slice %arg3[%run_scoped3A, %multiple_of3A_195, %dma_wait3A_257] : memref<2x2560x125xi32, #tpu.memory_space<hbm>> -> memref<1x8x125xi32, #tpu.memory_space<hbm>>
      %dma_wait3A_259 = tpu.memref_squeeze %dma_wait3A_258 : memref<1x8x125xi32, #tpu.memory_space<hbm>> -> memref<8x125xi32, #tpu.memory_space<hbm>>
      %dma_wait3A_260 = arith.constant 0 : i32
      %dma_wait3A_261 = arith.constant 0 : i32
      %dma_wait3A_262 = tpu.memref_slice %arg5[%run_scoped3A_196, %dma_wait3A_260, %dma_wait3A_261] : memref<2x8x125xi32, #tpu.memory_space<vmem>> -> memref<1x8x125xi32, #tpu.memory_space<vmem>>
      %dma_wait3A_263 = tpu.memref_squeeze %dma_wait3A_262 : memref<1x8x125xi32, #tpu.memory_space<vmem>> -> memref<8x125xi32, #tpu.memory_space<vmem>>
      %dma_wait3A_264 = arith.constant 0 : i32
      %dma_wait3A_265 = tpu.memref_slice %arg3[%run_scoped3A, %multiple_of3A_195, %dma_wait3A_264] : memref<2x2560x125xi32, #tpu.memory_space<hbm>> -> memref<1x8x125xi32, #tpu.memory_space<hbm>>
      %dma_wait3A_266 = tpu.memref_squeeze %dma_wait3A_265 : memref<1x8x125xi32, #tpu.memory_space<hbm>> -> memref<8x125xi32, #tpu.memory_space<hbm>>
      tpu.wait_dma2 semaphore(%run_scoped3A_238 : memref<!tpu.dma_semaphore, #tpu.memory_space<semaphore_mem>>) src(%dma_wait3A_266 : memref<8x125xi32, #tpu.memory_space<hbm>>) dst(%dma_wait3A_263 : memref<8x125xi32, #tpu.memory_space<vmem>>)
      tpu.yield
    }) : () -> ()
    %multiple_of3A_197 = tpu.assume_multiple %mul3A_194, 8 : i32
    %run_scoped3A_198 = arith.constant 1 : i32
    %run_scoped3A_199 = arith.constant 0 : i32
    "tpu.region"() ({
      %run_scoped3A_238 = tpu.sem_alloc : memref<!tpu.dma_semaphore, #tpu.memory_space<semaphore_mem>>
      %dma_start3A_239 = arith.constant 0 : i32
      %dma_start3A_240 = arith.constant 0 : i32
      %dma_start3A_241 = tpu.memref_slice %arg6[%run_scoped3A_199, %dma_start3A_239, %dma_start3A_240] : memref<2x8x125xi32, #tpu.memory_space<vmem>> -> memref<1x8x125xi32, #tpu.memory_space<vmem>>
      %dma_start3A_242 = tpu.memref_squeeze %dma_start3A_241 : memref<1x8x125xi32, #tpu.memory_space<vmem>> -> memref<8x125xi32, #tpu.memory_space<vmem>>
      %dma_start3A_243 = arith.constant 0 : i32
      %dma_start3A_244 = tpu.memref_slice %arg3[%run_scoped3A_198, %multiple_of3A_197, %dma_start3A_243] : memref<2x2560x125xi32, #tpu.memory_space<hbm>> -> memref<1x8x125xi32, #tpu.memory_space<hbm>>
      %dma_start3A_245 = tpu.memref_squeeze %dma_start3A_244 : memref<1x8x125xi32, #tpu.memory_space<hbm>> -> memref<8x125xi32, #tpu.memory_space<hbm>>
      %dma_start3A_246 = arith.constant 0 : i32
      %dma_start3A_247 = arith.constant 0 : i32
      %dma_start3A_248 = tpu.memref_slice %arg6[%run_scoped3A_199, %dma_start3A_246, %dma_start3A_247] : memref<2x8x125xi32, #tpu.memory_space<vmem>> -> memref<1x8x125xi32, #tpu.memory_space<vmem>>
      %dma_start3A_249 = tpu.memref_squeeze %dma_start3A_248 : memref<1x8x125xi32, #tpu.memory_space<vmem>> -> memref<8x125xi32, #tpu.memory_space<vmem>>
      %dma_start3A_250 = arith.constant 0 : i32
      %dma_start3A_251 = tpu.memref_slice %arg3[%run_scoped3A_198, %multiple_of3A_197, %dma_start3A_250] : memref<2x2560x125xi32, #tpu.memory_space<hbm>> -> memref<1x8x125xi32, #tpu.memory_space<hbm>>
      %dma_start3A_252 = tpu.memref_squeeze %dma_start3A_251 : memref<1x8x125xi32, #tpu.memory_space<hbm>> -> memref<8x125xi32, #tpu.memory_space<hbm>>
      tpu.enqueue_dma source(%dma_start3A_252 : memref<8x125xi32, #tpu.memory_space<hbm>>) target(%dma_start3A_249 : memref<8x125xi32, #tpu.memory_space<vmem>>) target_semaphore(%run_scoped3A_238 : memref<!tpu.dma_semaphore, #tpu.memory_space<semaphore_mem>>)
      %dma_wait3A_253 = arith.constant 0 : i32
      %dma_wait3A_254 = arith.constant 0 : i32
      %dma_wait3A_255 = tpu.memref_slice %arg6[%run_scoped3A_199, %dma_wait3A_253, %dma_wait3A_254] : memref<2x8x125xi32, #tpu.memory_space<vmem>> -> memref<1x8x125xi32, #tpu.memory_space<vmem>>
      %dma_wait3A_256 = tpu.memref_squeeze %dma_wait3A_255 : memref<1x8x125xi32, #tpu.memory_space<vmem>> -> memref<8x125xi32, #tpu.memory_space<vmem>>
      %dma_wait3A_257 = arith.constant 0 : i32
      %dma_wait3A_258 = tpu.memref_slice %arg3[%run_scoped3A_198, %multiple_of3A_197, %dma_wait3A_257] : memref<2x2560x125xi32, #tpu.memory_space<hbm>> -> memref<1x8x125xi32, #tpu.memory_space<hbm>>
      %dma_wait3A_259 = tpu.memref_squeeze %dma_wait3A_258 : memref<1x8x125xi32, #tpu.memory_space<hbm>> -> memref<8x125xi32, #tpu.memory_space<hbm>>
      %dma_wait3A_260 = arith.constant 0 : i32
      %dma_wait3A_261 = arith.constant 0 : i32
      %dma_wait3A_262 = tpu.memref_slice %arg6[%run_scoped3A_199, %dma_wait3A_260, %dma_wait3A_261] : memref<2x8x125xi32, #tpu.memory_space<vmem>> -> memref<1x8x125xi32, #tpu.memory_space<vmem>>
      %dma_wait3A_263 = tpu.memref_squeeze %dma_wait3A_262 : memref<1x8x125xi32, #tpu.memory_space<vmem>> -> memref<8x125xi32, #tpu.memory_space<vmem>>
      %dma_wait3A_264 = arith.constant 0 : i32
      %dma_wait3A_265 = tpu.memref_slice %arg3[%run_scoped3A_198, %multiple_of3A_197, %dma_wait3A_264] : memref<2x2560x125xi32, #tpu.memory_space<hbm>> -> memref<1x8x125xi32, #tpu.memory_space<hbm>>
      %dma_wait3A_266 = tpu.memref_squeeze %dma_wait3A_265 : memref<1x8x125xi32, #tpu.memory_space<hbm>> -> memref<8x125xi32, #tpu.memory_space<hbm>>
      tpu.wait_dma2 semaphore(%run_scoped3A_238 : memref<!tpu.dma_semaphore, #tpu.memory_space<semaphore_mem>>) src(%dma_wait3A_266 : memref<8x125xi32, #tpu.memory_space<hbm>>) dst(%dma_wait3A_263 : memref<8x125xi32, #tpu.memory_space<vmem>>)
      tpu.yield
    }) : () -> ()
    %dma_start3A_200 = arith.constant 0 : i32
    %dma_start3A_201 = arith.constant 0 : i32
    %dma_start3A_202 = arith.constant 0 : i32
    %dma_start3A_203 = arith.constant 0 : i32
    %dma_start3A_204 = arith.constant 0 : i32
    %dma_start3A_205 = tpu.memref_slice %arg7[%dma_start3A_202, %dma_start3A_203, %dma_start3A_204] : memref<2x125x128xf32, #tpu.memory_space<vmem>> -> memref<1x125x128xf32, #tpu.memory_space<vmem>>
    %dma_start3A_206 = tpu.memref_squeeze %dma_start3A_205 : memref<1x125x128xf32, #tpu.memory_space<vmem>> -> memref<125x128xf32, #tpu.memory_space<vmem>>
    %dma_start3A_207 = arith.constant 0 : i32
    %dma_start3A_208 = tpu.memref_slice %arg5[%dma_start3A_200, %dma_start3A_201, %dma_start3A_207] : memref<2x8x125xi32, #tpu.memory_space<vmem>> -> memref<1x1x125xi32, #tpu.memory_space<vmem>>
    %dma_start3A_209 = tpu.memref_squeeze %dma_start3A_208 : memref<1x1x125xi32, #tpu.memory_space<vmem>> -> memref<125xi32, #tpu.memory_space<vmem>>
    %dma_start3A_210 = arith.constant 0 : i32
    %dma_start3A_211 = arith.constant 0 : i32
    %dma_start3A_212 = tpu.memref_slice %arg2[%dma_start3A_210, %dma_start3A_211] : memref<10000x128xf32, #tpu.memory_space<hbm>> -> memref<10000x128xf32, #tpu.memory_space<hbm>>
    tpu.enqueue_indirect_dma source(%dma_start3A_212 : memref<10000x128xf32, #tpu.memory_space<hbm>>) target(%dma_start3A_206 : memref<125x128xf32, #tpu.memory_space<vmem>>) offsets(%dma_start3A_209 : memref<125xi32, #tpu.memory_space<vmem>>) semaphore(%arg9 : memref<!tpu.dma_semaphore, #tpu.memory_space<semaphore_mem>>)
    %dma_start3A_213 = arith.constant 0 : i32
    %dma_start3A_214 = arith.constant 1 : i32
    %dma_start3A_215 = arith.constant 1 : i32
    %dma_start3A_216 = arith.constant 0 : i32
    %dma_start3A_217 = arith.constant 0 : i32
    %dma_start3A_218 = tpu.memref_slice %arg7[%dma_start3A_215, %dma_start3A_216, %dma_start3A_217] : memref<2x125x128xf32, #tpu.memory_space<vmem>> -> memref<1x125x128xf32, #tpu.memory_space<vmem>>
    %dma_start3A_219 = tpu.memref_squeeze %dma_start3A_218 : memref<1x125x128xf32, #tpu.memory_space<vmem>> -> memref<125x128xf32, #tpu.memory_space<vmem>>
    %dma_start3A_220 = arith.constant 0 : i32
    %dma_start3A_221 = tpu.memref_slice %arg5[%dma_start3A_213, %dma_start3A_214, %dma_start3A_220] : memref<2x8x125xi32, #tpu.memory_space<vmem>> -> memref<1x1x125xi32, #tpu.memory_space<vmem>>
    %dma_start3A_222 = tpu.memref_squeeze %dma_start3A_221 : memref<1x1x125xi32, #tpu.memory_space<vmem>> -> memref<125xi32, #tpu.memory_space<vmem>>
    %dma_start3A_223 = arith.constant 0 : i32
    %dma_start3A_224 = arith.constant 0 : i32
    %dma_start3A_225 = tpu.memref_slice %arg2[%dma_start3A_223, %dma_start3A_224] : memref<10000x128xf32, #tpu.memory_space<hbm>> -> memref<10000x128xf32, #tpu.memory_space<hbm>>
    tpu.enqueue_indirect_dma source(%dma_start3A_225 : memref<10000x128xf32, #tpu.memory_space<hbm>>) target(%dma_start3A_219 : memref<125x128xf32, #tpu.memory_space<vmem>>) offsets(%dma_start3A_222 : memref<125xi32, #tpu.memory_space<vmem>>) semaphore(%arg9 : memref<!tpu.dma_semaphore, #tpu.memory_space<semaphore_mem>>)
    %scan3A_226 = arith.constant 0 : i32
    %scan3A_227 = arith.constant 0 : i32
    %scan3A_228 = arith.constant 10 : i32
    %scan3A_229 = arith.addi %scan3A_227, %scan3A_228 : i32
    %scan3A_230 = arith.constant 1 : i32
    scf.for %scan3A_238 = %scan3A_227 to %scan3A_229 step %scan3A_230  : i32 {
      %add3A_239 = arith.constant 1 : i32
      %add3A_240 = arith.addi %scan3A_238, %add3A_239 : i32
      %lt3A = arith.constant 10 : i32
      %lt3A_241 = arith.cmpi slt, %add3A_240, %lt3A : i32
      %convert_element_type3A_242 = arith.extui %lt3A_241 : i1 to i32
      %cond3A_243 = arith.constant 0 : i32
      %cond3A_244 = arith.cmpi ne, %convert_element_type3A_242, %cond3A_243 : i32
      scf.if %cond3A_244 {
        %rem3A_642 = arith.constant 2 : i32
        %rem3A_643 = arith.remsi %add3A_240, %rem3A_642 : i32
        %mul3A_644 = arith.constant 8 : i32
        %mul3A_645 = arith.muli %add3A_240, %mul3A_644 : i32
        %add3A_646 = arith.addi %mul3A_194, %mul3A_645 : i32
        %multiple_of3A_647 = tpu.assume_multiple %add3A_646, 8 : i32
        %run_scoped3A_648 = arith.constant 0 : i32
        "tpu.region"() ({
          %run_scoped3A_650 = tpu.sem_alloc : memref<!tpu.dma_semaphore, #tpu.memory_space<semaphore_mem>>
          %dma_start3A_651 = arith.constant 0 : i32
          %dma_start3A_652 = arith.constant 0 : i32
          %dma_start3A_653 = tpu.memref_slice %arg5[%rem3A_643, %dma_start3A_651, %dma_start3A_652] : memref<2x8x125xi32, #tpu.memory_space<vmem>> -> memref<1x8x125xi32, #tpu.memory_space<vmem>>
          %dma_start3A_654 = tpu.memref_squeeze %dma_start3A_653 : memref<1x8x125xi32, #tpu.memory_space<vmem>> -> memref<8x125xi32, #tpu.memory_space<vmem>>
          %dma_start3A_655 = arith.constant 0 : i32
          %dma_start3A_656 = tpu.memref_slice %arg3[%run_scoped3A_648, %multiple_of3A_647, %dma_start3A_655] : memref<2x2560x125xi32, #tpu.memory_space<hbm>> -> memref<1x8x125xi32, #tpu.memory_space<hbm>>
          %dma_start3A_657 = tpu.memref_squeeze %dma_start3A_656 : memref<1x8x125xi32, #tpu.memory_space<hbm>> -> memref<8x125xi32, #tpu.memory_space<hbm>>
          %dma_start3A_658 = arith.constant 0 : i32
          %dma_start3A_659 = arith.constant 0 : i32
          %dma_start3A_660 = tpu.memref_slice %arg5[%rem3A_643, %dma_start3A_658, %dma_start3A_659] : memref<2x8x125xi32, #tpu.memory_space<vmem>> -> memref<1x8x125xi32, #tpu.memory_space<vmem>>
          %dma_start3A_661 = tpu.memref_squeeze %dma_start3A_660 : memref<1x8x125xi32, #tpu.memory_space<vmem>> -> memref<8x125xi32, #tpu.memory_space<vmem>>
          %dma_start3A_662 = arith.constant 0 : i32
          %dma_start3A_663 = tpu.memref_slice %arg3[%run_scoped3A_648, %multiple_of3A_647, %dma_start3A_662] : memref<2x2560x125xi32, #tpu.memory_space<hbm>> -> memref<1x8x125xi32, #tpu.memory_space<hbm>>
          %dma_start3A_664 = tpu.memref_squeeze %dma_start3A_663 : memref<1x8x125xi32, #tpu.memory_space<hbm>> -> memref<8x125xi32, #tpu.memory_space<hbm>>
          tpu.enqueue_dma source(%dma_start3A_664 : memref<8x125xi32, #tpu.memory_space<hbm>>) target(%dma_start3A_661 : memref<8x125xi32, #tpu.memory_space<vmem>>) target_semaphore(%run_scoped3A_650 : memref<!tpu.dma_semaphore, #tpu.memory_space<semaphore_mem>>)
          %dma_wait3A_665 = arith.constant 0 : i32
          %dma_wait3A_666 = arith.constant 0 : i32
          %dma_wait3A_667 = tpu.memref_slice %arg5[%rem3A_643, %dma_wait3A_665, %dma_wait3A_666] : memref<2x8x125xi32, #tpu.memory_space<vmem>> -> memref<1x8x125xi32, #tpu.memory_space<vmem>>
          %dma_wait3A_668 = tpu.memref_squeeze %dma_wait3A_667 : memref<1x8x125xi32, #tpu.memory_space<vmem>> -> memref<8x125xi32, #tpu.memory_space<vmem>>
          %dma_wait3A_669 = arith.constant 0 : i32
          %dma_wait3A_670 = tpu.memref_slice %arg3[%run_scoped3A_648, %multiple_of3A_647, %dma_wait3A_669] : memref<2x2560x125xi32, #tpu.memory_space<hbm>> -> memref<1x8x125xi32, #tpu.memory_space<hbm>>
          %dma_wait3A_671 = tpu.memref_squeeze %dma_wait3A_670 : memref<1x8x125xi32, #tpu.memory_space<hbm>> -> memref<8x125xi32, #tpu.memory_space<hbm>>
          %dma_wait3A_672 = arith.constant 0 : i32
          %dma_wait3A_673 = arith.constant 0 : i32
          %dma_wait3A_674 = tpu.memref_slice %arg5[%rem3A_643, %dma_wait3A_672, %dma_wait3A_673] : memref<2x8x125xi32, #tpu.memory_space<vmem>> -> memref<1x8x125xi32, #tpu.memory_space<vmem>>
          %dma_wait3A_675 = tpu.memref_squeeze %dma_wait3A_674 : memref<1x8x125xi32, #tpu.memory_space<vmem>> -> memref<8x125xi32, #tpu.memory_space<vmem>>
          %dma_wait3A_676 = arith.constant 0 : i32
          %dma_wait3A_677 = tpu.memref_slice %arg3[%run_scoped3A_648, %multiple_of3A_647, %dma_wait3A_676] : memref<2x2560x125xi32, #tpu.memory_space<hbm>> -> memref<1x8x125xi32, #tpu.memory_space<hbm>>
          %dma_wait3A_678 = tpu.memref_squeeze %dma_wait3A_677 : memref<1x8x125xi32, #tpu.memory_space<hbm>> -> memref<8x125xi32, #tpu.memory_space<hbm>>
          tpu.wait_dma2 semaphore(%run_scoped3A_650 : memref<!tpu.dma_semaphore, #tpu.memory_space<semaphore_mem>>) src(%dma_wait3A_678 : memref<8x125xi32, #tpu.memory_space<hbm>>) dst(%dma_wait3A_675 : memref<8x125xi32, #tpu.memory_space<vmem>>)
          tpu.yield
        }) : () -> ()
        %run_scoped3A_649 = arith.constant 1 : i32
        "tpu.region"() ({
          %run_scoped3A_650 = tpu.sem_alloc : memref<!tpu.dma_semaphore, #tpu.memory_space<semaphore_mem>>
          %dma_start3A_651 = arith.constant 0 : i32
          %dma_start3A_652 = arith.constant 0 : i32
          %dma_start3A_653 = tpu.memref_slice %arg6[%rem3A_643, %dma_start3A_651, %dma_start3A_652] : memref<2x8x125xi32, #tpu.memory_space<vmem>> -> memref<1x8x125xi32, #tpu.memory_space<vmem>>
          %dma_start3A_654 = tpu.memref_squeeze %dma_start3A_653 : memref<1x8x125xi32, #tpu.memory_space<vmem>> -> memref<8x125xi32, #tpu.memory_space<vmem>>
          %dma_start3A_655 = arith.constant 0 : i32
          %dma_start3A_656 = tpu.memref_slice %arg3[%run_scoped3A_649, %multiple_of3A_647, %dma_start3A_655] : memref<2x2560x125xi32, #tpu.memory_space<hbm>> -> memref<1x8x125xi32, #tpu.memory_space<hbm>>
          %dma_start3A_657 = tpu.memref_squeeze %dma_start3A_656 : memref<1x8x125xi32, #tpu.memory_space<hbm>> -> memref<8x125xi32, #tpu.memory_space<hbm>>
          %dma_start3A_658 = arith.constant 0 : i32
          %dma_start3A_659 = arith.constant 0 : i32
          %dma_start3A_660 = tpu.memref_slice %arg6[%rem3A_643, %dma_start3A_658, %dma_start3A_659] : memref<2x8x125xi32, #tpu.memory_space<vmem>> -> memref<1x8x125xi32, #tpu.memory_space<vmem>>
          %dma_start3A_661 = tpu.memref_squeeze %dma_start3A_660 : memref<1x8x125xi32, #tpu.memory_space<vmem>> -> memref<8x125xi32, #tpu.memory_space<vmem>>
          %dma_start3A_662 = arith.constant 0 : i32
          %dma_start3A_663 = tpu.memref_slice %arg3[%run_scoped3A_649, %multiple_of3A_647, %dma_start3A_662] : memref<2x2560x125xi32, #tpu.memory_space<hbm>> -> memref<1x8x125xi32, #tpu.memory_space<hbm>>
          %dma_start3A_664 = tpu.memref_squeeze %dma_start3A_663 : memref<1x8x125xi32, #tpu.memory_space<hbm>> -> memref<8x125xi32, #tpu.memory_space<hbm>>
          tpu.enqueue_dma source(%dma_start3A_664 : memref<8x125xi32, #tpu.memory_space<hbm>>) target(%dma_start3A_661 : memref<8x125xi32, #tpu.memory_space<vmem>>) target_semaphore(%run_scoped3A_650 : memref<!tpu.dma_semaphore, #tpu.memory_space<semaphore_mem>>)
          %dma_wait3A_665 = arith.constant 0 : i32
          %dma_wait3A_666 = arith.constant 0 : i32
          %dma_wait3A_667 = tpu.memref_slice %arg6[%rem3A_643, %dma_wait3A_665, %dma_wait3A_666] : memref<2x8x125xi32, #tpu.memory_space<vmem>> -> memref<1x8x125xi32, #tpu.memory_space<vmem>>
          %dma_wait3A_668 = tpu.memref_squeeze %dma_wait3A_667 : memref<1x8x125xi32, #tpu.memory_space<vmem>> -> memref<8x125xi32, #tpu.memory_space<vmem>>
          %dma_wait3A_669 = arith.constant 0 : i32
          %dma_wait3A_670 = tpu.memref_slice %arg3[%run_scoped3A_649, %multiple_of3A_647, %dma_wait3A_669] : memref<2x2560x125xi32, #tpu.memory_space<hbm>> -> memref<1x8x125xi32, #tpu.memory_space<hbm>>
          %dma_wait3A_671 = tpu.memref_squeeze %dma_wait3A_670 : memref<1x8x125xi32, #tpu.memory_space<hbm>> -> memref<8x125xi32, #tpu.memory_space<hbm>>
          %dma_wait3A_672 = arith.constant 0 : i32
          %dma_wait3A_673 = arith.constant 0 : i32
          %dma_wait3A_674 = tpu.memref_slice %arg6[%rem3A_643, %dma_wait3A_672, %dma_wait3A_673] : memref<2x8x125xi32, #tpu.memory_space<vmem>> -> memref<1x8x125xi32, #tpu.memory_space<vmem>>
          %dma_wait3A_675 = tpu.memref_squeeze %dma_wait3A_674 : memref<1x8x125xi32, #tpu.memory_space<vmem>> -> memref<8x125xi32, #tpu.memory_space<vmem>>
          %dma_wait3A_676 = arith.constant 0 : i32
          %dma_wait3A_677 = tpu.memref_slice %arg3[%run_scoped3A_649, %multiple_of3A_647, %dma_wait3A_676] : memref<2x2560x125xi32, #tpu.memory_space<hbm>> -> memref<1x8x125xi32, #tpu.memory_space<hbm>>
          %dma_wait3A_678 = tpu.memref_squeeze %dma_wait3A_677 : memref<1x8x125xi32, #tpu.memory_space<hbm>> -> memref<8x125xi32, #tpu.memory_space<hbm>>
          tpu.wait_dma2 semaphore(%run_scoped3A_650 : memref<!tpu.dma_semaphore, #tpu.memory_space<semaphore_mem>>) src(%dma_wait3A_678 : memref<8x125xi32, #tpu.memory_space<hbm>>) dst(%dma_wait3A_675 : memref<8x125xi32, #tpu.memory_space<vmem>>)
          tpu.yield
        }) : () -> ()
      } else {
      }
      %rem3A = arith.constant 2 : i32
      %rem3A_245 = arith.remsi %scan3A_238, %rem3A : i32
      %add3A_246 = arith.constant 1 : i32
      %add3A_247 = arith.addi %scan3A_238, %add3A_246 : i32
      %rem3A_248 = arith.constant 2 : i32
      %rem3A_249 = arith.remsi %add3A_247, %rem3A_248 : i32
      %dma_wait3A_250 = arith.constant 0 : i32
      %dma_wait3A_251 = arith.constant 0 : i32
      %dma_wait3A_252 = arith.constant 0 : i32
      %dma_wait3A_253 = arith.constant 0 : i32
      %dma_wait3A_254 = arith.constant 0 : i32
      %dma_wait3A_255 = tpu.memref_slice %arg7[%dma_wait3A_252, %dma_wait3A_253, %dma_wait3A_254] : memref<2x125x128xf32, #tpu.memory_space<vmem>> -> memref<1x125x128xf32, #tpu.memory_space<vmem>>
      %dma_wait3A_256 = tpu.memref_squeeze %dma_wait3A_255 : memref<1x125x128xf32, #tpu.memory_space<vmem>> -> memref<125x128xf32, #tpu.memory_space<vmem>>
      %dma_wait3A_257 = arith.constant 0 : i32
      %dma_wait3A_258 = tpu.memref_slice %arg5[%dma_wait3A_250, %dma_wait3A_251, %dma_wait3A_257] : memref<2x8x125xi32, #tpu.memory_space<vmem>> -> memref<1x1x125xi32, #tpu.memory_space<vmem>>
      %dma_wait3A_259 = tpu.memref_squeeze %dma_wait3A_258 : memref<1x1x125xi32, #tpu.memory_space<vmem>> -> memref<125xi32, #tpu.memory_space<vmem>>
      %dma_wait3A_260 = arith.constant 0 : i32
      %dma_wait3A_261 = arith.constant 0 : i32
      %dma_wait3A_262 = tpu.memref_slice %arg2[%dma_wait3A_260, %dma_wait3A_261] : memref<10000x128xf32, #tpu.memory_space<hbm>> -> memref<10000x128xf32, #tpu.memory_space<hbm>>
      tpu.wait_indirect_dma semaphore(%arg9 : memref<!tpu.dma_semaphore, #tpu.memory_space<semaphore_mem>>) src(%dma_wait3A_262 : memref<10000x128xf32, #tpu.memory_space<hbm>>) dst(%dma_wait3A_256 : memref<125x128xf32, #tpu.memory_space<vmem>>)
      %dma_start3A_263 = arith.constant 0 : i32
      %dma_start3A_264 = arith.constant 0 : i32
      %dma_start3A_265 = arith.constant 0 : i32
      %dma_start3A_266 = arith.constant 0 : i32
      %dma_start3A_267 = tpu.memref_slice %arg7[%dma_start3A_263, %dma_start3A_265, %dma_start3A_266] : memref<2x125x128xf32, #tpu.memory_space<vmem>> -> memref<1x125x128xf32, #tpu.memory_space<vmem>>
      %dma_start3A_268 = tpu.memref_squeeze %dma_start3A_267 : memref<1x125x128xf32, #tpu.memory_space<vmem>> -> memref<125x128xf32, #tpu.memory_space<vmem>>
      %dma_start3A_269 = arith.constant 0 : i32
      %dma_start3A_270 = tpu.memref_slice %arg6[%rem3A_245, %dma_start3A_264, %dma_start3A_269] : memref<2x8x125xi32, #tpu.memory_space<vmem>> -> memref<1x1x125xi32, #tpu.memory_space<vmem>>
      %dma_start3A_271 = tpu.memref_squeeze %dma_start3A_270 : memref<1x1x125xi32, #tpu.memory_space<vmem>> -> memref<125xi32, #tpu.memory_space<vmem>>
      %dma_start3A_272 = arith.constant 0 : i32
      %dma_start3A_273 = arith.constant 0 : i32
      %dma_start3A_274 = tpu.memref_slice %arg8[%dma_start3A_272, %dma_start3A_273] : memref<10000x128xf32, #tpu.memory_space<vmem_shared>> -> memref<10000x128xf32, #tpu.memory_space<vmem_shared>>
      tpu.enqueue_indirect_dma source(%dma_start3A_268 : memref<125x128xf32, #tpu.memory_space<vmem>>) target(%dma_start3A_274 : memref<10000x128xf32, #tpu.memory_space<vmem_shared>>) offsets(%dma_start3A_271 : memref<125xi32, #tpu.memory_space<vmem>>) semaphore(%arg10 : memref<!tpu.dma_semaphore, #tpu.memory_space<semaphore_mem>>) {add = true}
      %dma_wait3A_275 = arith.constant 0 : i32
      %dma_wait3A_276 = arith.constant 0 : i32
      %dma_wait3A_277 = arith.constant 0 : i32
      %dma_wait3A_278 = arith.constant 0 : i32
      %dma_wait3A_279 = arith.constant 0 : i32
      %dma_wait3A_280 = tpu.memref_slice %arg7[%dma_wait3A_275, %dma_wait3A_278, %dma_wait3A_279] : memref<2x125x128xf32, #tpu.memory_space<vmem>> -> memref<1x125x128xf32, #tpu.memory_space<vmem>>
      %dma_wait3A_281 = tpu.memref_squeeze %dma_wait3A_280 : memref<1x125x128xf32, #tpu.memory_space<vmem>> -> memref<125x128xf32, #tpu.memory_space<vmem>>
      %dma_wait3A_282 = arith.constant 0 : i32
      %dma_wait3A_283 = tpu.memref_slice %arg6[%dma_wait3A_276, %dma_wait3A_277, %dma_wait3A_282] : memref<2x8x125xi32, #tpu.memory_space<vmem>> -> memref<1x1x125xi32, #tpu.memory_space<vmem>>
      %dma_wait3A_284 = tpu.memref_squeeze %dma_wait3A_283 : memref<1x1x125xi32, #tpu.memory_space<vmem>> -> memref<125xi32, #tpu.memory_space<vmem>>
      %dma_wait3A_285 = arith.constant 0 : i32
      %dma_wait3A_286 = arith.constant 0 : i32
      %dma_wait3A_287 = tpu.memref_slice %arg8[%dma_wait3A_285, %dma_wait3A_286] : memref<10000x128xf32, #tpu.memory_space<vmem_shared>> -> memref<10000x128xf32, #tpu.memory_space<vmem_shared>>
      tpu.wait_indirect_dma semaphore(%arg10 : memref<!tpu.dma_semaphore, #tpu.memory_space<semaphore_mem>>) src(%dma_wait3A_281 : memref<125x128xf32, #tpu.memory_space<vmem>>) dst(%dma_wait3A_287 : memref<10000x128xf32, #tpu.memory_space<vmem_shared>>)
      %mul3A_288 = arith.constant 8 : i32
      %mul3A_289 = arith.muli %mul3A_288, %scan3A_238 : i32
      %add3A_290 = arith.constant 0 : i32
      %add3A_291 = arith.addi %mul3A_289, %add3A_290 : i32
      %add3A_292 = arith.constant 2 : i32
      %add3A_293 = arith.addi %add3A_291, %add3A_292 : i32
      %lt3A_294 = arith.constant 80 : i32
      %lt3A_295 = arith.cmpi slt, %add3A_293, %lt3A_294 : i32
      %convert_element_type3A_296 = arith.extui %lt3A_295 : i1 to i32
      %cond3A_297 = arith.constant 0 : i32
      %cond3A_298 = arith.cmpi ne, %convert_element_type3A_296, %cond3A_297 : i32
      scf.if %cond3A_298 {
        %dma_start3A_642 = arith.constant 2 : i32
        %dma_start3A_643 = arith.constant 0 : i32
        %dma_start3A_644 = arith.constant 0 : i32
        %dma_start3A_645 = arith.constant 0 : i32
        %dma_start3A_646 = tpu.memref_slice %arg7[%dma_start3A_643, %dma_start3A_644, %dma_start3A_645] : memref<2x125x128xf32, #tpu.memory_space<vmem>> -> memref<1x125x128xf32, #tpu.memory_space<vmem>>
        %dma_start3A_647 = tpu.memref_squeeze %dma_start3A_646 : memref<1x125x128xf32, #tpu.memory_space<vmem>> -> memref<125x128xf32, #tpu.memory_space<vmem>>
        %dma_start3A_648 = arith.constant 0 : i32
        %dma_start3A_649 = tpu.memref_slice %arg5[%rem3A_245, %dma_start3A_642, %dma_start3A_648] : memref<2x8x125xi32, #tpu.memory_space<vmem>> -> memref<1x1x125xi32, #tpu.memory_space<vmem>>
        %dma_start3A_650 = tpu.memref_squeeze %dma_start3A_649 : memref<1x1x125xi32, #tpu.memory_space<vmem>> -> memref<125xi32, #tpu.memory_space<vmem>>
        %dma_start3A_651 = arith.constant 0 : i32
        %dma_start3A_652 = arith.constant 0 : i32
        %dma_start3A_653 = tpu.memref_slice %arg2[%dma_start3A_651, %dma_start3A_652] : memref<10000x128xf32, #tpu.memory_space<hbm>> -> memref<10000x128xf32, #tpu.memory_space<hbm>>
        tpu.enqueue_indirect_dma source(%dma_start3A_653 : memref<10000x128xf32, #tpu.memory_space<hbm>>) target(%dma_start3A_647 : memref<125x128xf32, #tpu.memory_space<vmem>>) offsets(%dma_start3A_650 : memref<125xi32, #tpu.memory_space<vmem>>) semaphore(%arg9 : memref<!tpu.dma_semaphore, #tpu.memory_space<semaphore_mem>>)
      } else {
      }
      %dma_wait3A_299 = arith.constant 0 : i32
      %dma_wait3A_300 = arith.constant 0 : i32
      %dma_wait3A_301 = arith.constant 1 : i32
      %dma_wait3A_302 = arith.constant 0 : i32
      %dma_wait3A_303 = arith.constant 0 : i32
      %dma_wait3A_304 = tpu.memref_slice %arg7[%dma_wait3A_301, %dma_wait3A_302, %dma_wait3A_303] : memref<2x125x128xf32, #tpu.memory_space<vmem>> -> memref<1x125x128xf32, #tpu.memory_space<vmem>>
      %dma_wait3A_305 = tpu.memref_squeeze %dma_wait3A_304 : memref<1x125x128xf32, #tpu.memory_space<vmem>> -> memref<125x128xf32, #tpu.memory_space<vmem>>
      %dma_wait3A_306 = arith.constant 0 : i32
      %dma_wait3A_307 = tpu.memref_slice %arg5[%dma_wait3A_299, %dma_wait3A_300, %dma_wait3A_306] : memref<2x8x125xi32, #tpu.memory_space<vmem>> -> memref<1x1x125xi32, #tpu.memory_space<vmem>>
      %dma_wait3A_308 = tpu.memref_squeeze %dma_wait3A_307 : memref<1x1x125xi32, #tpu.memory_space<vmem>> -> memref<125xi32, #tpu.memory_space<vmem>>
      %dma_wait3A_309 = arith.constant 0 : i32
      %dma_wait3A_310 = arith.constant 0 : i32
      %dma_wait3A_311 = tpu.memref_slice %arg2[%dma_wait3A_309, %dma_wait3A_310] : memref<10000x128xf32, #tpu.memory_space<hbm>> -> memref<10000x128xf32, #tpu.memory_space<hbm>>
      tpu.wait_indirect_dma semaphore(%arg9 : memref<!tpu.dma_semaphore, #tpu.memory_space<semaphore_mem>>) src(%dma_wait3A_311 : memref<10000x128xf32, #tpu.memory_space<hbm>>) dst(%dma_wait3A_305 : memref<125x128xf32, #tpu.memory_space<vmem>>)
      %dma_start3A_312 = arith.constant 1 : i32
      %dma_start3A_313 = arith.constant 1 : i32
      %dma_start3A_314 = arith.constant 0 : i32
      %dma_start3A_315 = arith.constant 0 : i32
      %dma_start3A_316 = tpu.memref_slice %arg7[%dma_start3A_312, %dma_start3A_314, %dma_start3A_315] : memref<2x125x128xf32, #tpu.memory_space<vmem>> -> memref<1x125x128xf32, #tpu.memory_space<vmem>>
      %dma_start3A_317 = tpu.memref_squeeze %dma_start3A_316 : memref<1x125x128xf32, #tpu.memory_space<vmem>> -> memref<125x128xf32, #tpu.memory_space<vmem>>
      %dma_start3A_318 = arith.constant 0 : i32
      %dma_start3A_319 = tpu.memref_slice %arg6[%rem3A_245, %dma_start3A_313, %dma_start3A_318] : memref<2x8x125xi32, #tpu.memory_space<vmem>> -> memref<1x1x125xi32, #tpu.memory_space<vmem>>
      %dma_start3A_320 = tpu.memref_squeeze %dma_start3A_319 : memref<1x1x125xi32, #tpu.memory_space<vmem>> -> memref<125xi32, #tpu.memory_space<vmem>>
      %dma_start3A_321 = arith.constant 0 : i32
      %dma_start3A_322 = arith.constant 0 : i32
      %dma_start3A_323 = tpu.memref_slice %arg8[%dma_start3A_321, %dma_start3A_322] : memref<10000x128xf32, #tpu.memory_space<vmem_shared>> -> memref<10000x128xf32, #tpu.memory_space<vmem_shared>>
      tpu.enqueue_indirect_dma source(%dma_start3A_317 : memref<125x128xf32, #tpu.memory_space<vmem>>) target(%dma_start3A_323 : memref<10000x128xf32, #tpu.memory_space<vmem_shared>>) offsets(%dma_start3A_320 : memref<125xi32, #tpu.memory_space<vmem>>) semaphore(%arg10 : memref<!tpu.dma_semaphore, #tpu.memory_space<semaphore_mem>>) {add = true}
      %dma_wait3A_324 = arith.constant 1 : i32
      %dma_wait3A_325 = arith.constant 0 : i32
      %dma_wait3A_326 = arith.constant 0 : i32
      %dma_wait3A_327 = arith.constant 0 : i32
      %dma_wait3A_328 = arith.constant 0 : i32
      %dma_wait3A_329 = tpu.memref_slice %arg7[%dma_wait3A_324, %dma_wait3A_327, %dma_wait3A_328] : memref<2x125x128xf32, #tpu.memory_space<vmem>> -> memref<1x125x128xf32, #tpu.memory_space<vmem>>
      %dma_wait3A_330 = tpu.memref_squeeze %dma_wait3A_329 : memref<1x125x128xf32, #tpu.memory_space<vmem>> -> memref<125x128xf32, #tpu.memory_space<vmem>>
      %dma_wait3A_331 = arith.constant 0 : i32
      %dma_wait3A_332 = tpu.memref_slice %arg6[%dma_wait3A_325, %dma_wait3A_326, %dma_wait3A_331] : memref<2x8x125xi32, #tpu.memory_space<vmem>> -> memref<1x1x125xi32, #tpu.memory_space<vmem>>
      %dma_wait3A_333 = tpu.memref_squeeze %dma_wait3A_332 : memref<1x1x125xi32, #tpu.memory_space<vmem>> -> memref<125xi32, #tpu.memory_space<vmem>>
      %dma_wait3A_334 = arith.constant 0 : i32
      %dma_wait3A_335 = arith.constant 0 : i32
      %dma_wait3A_336 = tpu.memref_slice %arg8[%dma_wait3A_334, %dma_wait3A_335] : memref<10000x128xf32, #tpu.memory_space<vmem_shared>> -> memref<10000x128xf32, #tpu.memory_space<vmem_shared>>
      tpu.wait_indirect_dma semaphore(%arg10 : memref<!tpu.dma_semaphore, #tpu.memory_space<semaphore_mem>>) src(%dma_wait3A_330 : memref<125x128xf32, #tpu.memory_space<vmem>>) dst(%dma_wait3A_336 : memref<10000x128xf32, #tpu.memory_space<vmem_shared>>)
      %mul3A_337 = arith.constant 8 : i32
      %mul3A_338 = arith.muli %mul3A_337, %scan3A_238 : i32
      %add3A_339 = arith.constant 1 : i32
      %add3A_340 = arith.addi %mul3A_338, %add3A_339 : i32
      %add3A_341 = arith.constant 2 : i32
      %add3A_342 = arith.addi %add3A_340, %add3A_341 : i32
      %lt3A_343 = arith.constant 80 : i32
      %lt3A_344 = arith.cmpi slt, %add3A_342, %lt3A_343 : i32
      %convert_element_type3A_345 = arith.extui %lt3A_344 : i1 to i32
      %cond3A_346 = arith.constant 0 : i32
      %cond3A_347 = arith.cmpi ne, %convert_element_type3A_345, %cond3A_346 : i32
      scf.if %cond3A_347 {
        %dma_start3A_642 = arith.constant 3 : i32
        %dma_start3A_643 = arith.constant 1 : i32
        %dma_start3A_644 = arith.constant 0 : i32
        %dma_start3A_645 = arith.constant 0 : i32
        %dma_start3A_646 = tpu.memref_slice %arg7[%dma_start3A_643, %dma_start3A_644, %dma_start3A_645] : memref<2x125x128xf32, #tpu.memory_space<vmem>> -> memref<1x125x128xf32, #tpu.memory_space<vmem>>
        %dma_start3A_647 = tpu.memref_squeeze %dma_start3A_646 : memref<1x125x128xf32, #tpu.memory_space<vmem>> -> memref<125x128xf32, #tpu.memory_space<vmem>>
        %dma_start3A_648 = arith.constant 0 : i32
        %dma_start3A_649 = tpu.memref_slice %arg5[%rem3A_245, %dma_start3A_642, %dma_start3A_648] : memref<2x8x125xi32, #tpu.memory_space<vmem>> -> memref<1x1x125xi32, #tpu.memory_space<vmem>>
        %dma_start3A_650 = tpu.memref_squeeze %dma_start3A_649 : memref<1x1x125xi32, #tpu.memory_space<vmem>> -> memref<125xi32, #tpu.memory_space<vmem>>
        %dma_start3A_651 = arith.constant 0 : i32
        %dma_start3A_652 = arith.constant 0 : i32
        %dma_start3A_653 = tpu.memref_slice %arg2[%dma_start3A_651, %dma_start3A_652] : memref<10000x128xf32, #tpu.memory_space<hbm>> -> memref<10000x128xf32, #tpu.memory_space<hbm>>
        tpu.enqueue_indirect_dma source(%dma_start3A_653 : memref<10000x128xf32, #tpu.memory_space<hbm>>) target(%dma_start3A_647 : memref<125x128xf32, #tpu.memory_space<vmem>>) offsets(%dma_start3A_650 : memref<125xi32, #tpu.memory_space<vmem>>) semaphore(%arg9 : memref<!tpu.dma_semaphore, #tpu.memory_space<semaphore_mem>>)
      } else {
      }
      %dma_wait3A_348 = arith.constant 0 : i32
      %dma_wait3A_349 = arith.constant 0 : i32
      %dma_wait3A_350 = arith.constant 0 : i32
      %dma_wait3A_351 = arith.constant 0 : i32
      %dma_wait3A_352 = arith.constant 0 : i32
      %dma_wait3A_353 = tpu.memref_slice %arg7[%dma_wait3A_350, %dma_wait3A_351, %dma_wait3A_352] : memref<2x125x128xf32, #tpu.memory_space<vmem>> -> memref<1x125x128xf32, #tpu.memory_space<vmem>>
      %dma_wait3A_354 = tpu.memref_squeeze %dma_wait3A_353 : memref<1x125x128xf32, #tpu.memory_space<vmem>> -> memref<125x128xf32, #tpu.memory_space<vmem>>
      %dma_wait3A_355 = arith.constant 0 : i32
      %dma_wait3A_356 = tpu.memref_slice %arg5[%dma_wait3A_348, %dma_wait3A_349, %dma_wait3A_355] : memref<2x8x125xi32, #tpu.memory_space<vmem>> -> memref<1x1x125xi32, #tpu.memory_space<vmem>>
      %dma_wait3A_357 = tpu.memref_squeeze %dma_wait3A_356 : memref<1x1x125xi32, #tpu.memory_space<vmem>> -> memref<125xi32, #tpu.memory_space<vmem>>
      %dma_wait3A_358 = arith.constant 0 : i32
      %dma_wait3A_359 = arith.constant 0 : i32
      %dma_wait3A_360 = tpu.memref_slice %arg2[%dma_wait3A_358, %dma_wait3A_359] : memref<10000x128xf32, #tpu.memory_space<hbm>> -> memref<10000x128xf32, #tpu.memory_space<hbm>>
      tpu.wait_indirect_dma semaphore(%arg9 : memref<!tpu.dma_semaphore, #tpu.memory_space<semaphore_mem>>) src(%dma_wait3A_360 : memref<10000x128xf32, #tpu.memory_space<hbm>>) dst(%dma_wait3A_354 : memref<125x128xf32, #tpu.memory_space<vmem>>)
      %dma_start3A_361 = arith.constant 0 : i32
      %dma_start3A_362 = arith.constant 2 : i32
      %dma_start3A_363 = arith.constant 0 : i32
      %dma_start3A_364 = arith.constant 0 : i32
      %dma_start3A_365 = tpu.memref_slice %arg7[%dma_start3A_361, %dma_start3A_363, %dma_start3A_364] : memref<2x125x128xf32, #tpu.memory_space<vmem>> -> memref<1x125x128xf32, #tpu.memory_space<vmem>>
      %dma_start3A_366 = tpu.memref_squeeze %dma_start3A_365 : memref<1x125x128xf32, #tpu.memory_space<vmem>> -> memref<125x128xf32, #tpu.memory_space<vmem>>
      %dma_start3A_367 = arith.constant 0 : i32
      %dma_start3A_368 = tpu.memref_slice %arg6[%rem3A_245, %dma_start3A_362, %dma_start3A_367] : memref<2x8x125xi32, #tpu.memory_space<vmem>> -> memref<1x1x125xi32, #tpu.memory_space<vmem>>
      %dma_start3A_369 = tpu.memref_squeeze %dma_start3A_368 : memref<1x1x125xi32, #tpu.memory_space<vmem>> -> memref<125xi32, #tpu.memory_space<vmem>>
      %dma_start3A_370 = arith.constant 0 : i32
      %dma_start3A_371 = arith.constant 0 : i32
      %dma_start3A_372 = tpu.memref_slice %arg8[%dma_start3A_370, %dma_start3A_371] : memref<10000x128xf32, #tpu.memory_space<vmem_shared>> -> memref<10000x128xf32, #tpu.memory_space<vmem_shared>>
      tpu.enqueue_indirect_dma source(%dma_start3A_366 : memref<125x128xf32, #tpu.memory_space<vmem>>) target(%dma_start3A_372 : memref<10000x128xf32, #tpu.memory_space<vmem_shared>>) offsets(%dma_start3A_369 : memref<125xi32, #tpu.memory_space<vmem>>) semaphore(%arg10 : memref<!tpu.dma_semaphore, #tpu.memory_space<semaphore_mem>>) {add = true}
      %dma_wait3A_373 = arith.constant 0 : i32
      %dma_wait3A_374 = arith.constant 0 : i32
      %dma_wait3A_375 = arith.constant 0 : i32
      %dma_wait3A_376 = arith.constant 0 : i32
      %dma_wait3A_377 = arith.constant 0 : i32
      %dma_wait3A_378 = tpu.memref_slice %arg7[%dma_wait3A_373, %dma_wait3A_376, %dma_wait3A_377] : memref<2x125x128xf32, #tpu.memory_space<vmem>> -> memref<1x125x128xf32, #tpu.memory_space<vmem>>
      %dma_wait3A_379 = tpu.memref_squeeze %dma_wait3A_378 : memref<1x125x128xf32, #tpu.memory_space<vmem>> -> memref<125x128xf32, #tpu.memory_space<vmem>>
      %dma_wait3A_380 = arith.constant 0 : i32
      %dma_wait3A_381 = tpu.memref_slice %arg6[%dma_wait3A_374, %dma_wait3A_375, %dma_wait3A_380] : memref<2x8x125xi32, #tpu.memory_space<vmem>> -> memref<1x1x125xi32, #tpu.memory_space<vmem>>
      %dma_wait3A_382 = tpu.memref_squeeze %dma_wait3A_381 : memref<1x1x125xi32, #tpu.memory_space<vmem>> -> memref<125xi32, #tpu.memory_space<vmem>>
      %dma_wait3A_383 = arith.constant 0 : i32
      %dma_wait3A_384 = arith.constant 0 : i32
      %dma_wait3A_385 = tpu.memref_slice %arg8[%dma_wait3A_383, %dma_wait3A_384] : memref<10000x128xf32, #tpu.memory_space<vmem_shared>> -> memref<10000x128xf32, #tpu.memory_space<vmem_shared>>
      tpu.wait_indirect_dma semaphore(%arg10 : memref<!tpu.dma_semaphore, #tpu.memory_space<semaphore_mem>>) src(%dma_wait3A_379 : memref<125x128xf32, #tpu.memory_space<vmem>>) dst(%dma_wait3A_385 : memref<10000x128xf32, #tpu.memory_space<vmem_shared>>)
      %mul3A_386 = arith.constant 8 : i32
      %mul3A_387 = arith.muli %mul3A_386, %scan3A_238 : i32
      %add3A_388 = arith.constant 2 : i32
      %add3A_389 = arith.addi %mul3A_387, %add3A_388 : i32
      %add3A_390 = arith.constant 2 : i32
      %add3A_391 = arith.addi %add3A_389, %add3A_390 : i32
      %lt3A_392 = arith.constant 80 : i32
      %lt3A_393 = arith.cmpi slt, %add3A_391, %lt3A_392 : i32
      %convert_element_type3A_394 = arith.extui %lt3A_393 : i1 to i32
      %cond3A_395 = arith.constant 0 : i32
      %cond3A_396 = arith.cmpi ne, %convert_element_type3A_394, %cond3A_395 : i32
      scf.if %cond3A_396 {
        %dma_start3A_642 = arith.constant 4 : i32
        %dma_start3A_643 = arith.constant 0 : i32
        %dma_start3A_644 = arith.constant 0 : i32
        %dma_start3A_645 = arith.constant 0 : i32
        %dma_start3A_646 = tpu.memref_slice %arg7[%dma_start3A_643, %dma_start3A_644, %dma_start3A_645] : memref<2x125x128xf32, #tpu.memory_space<vmem>> -> memref<1x125x128xf32, #tpu.memory_space<vmem>>
        %dma_start3A_647 = tpu.memref_squeeze %dma_start3A_646 : memref<1x125x128xf32, #tpu.memory_space<vmem>> -> memref<125x128xf32, #tpu.memory_space<vmem>>
        %dma_start3A_648 = arith.constant 0 : i32
        %dma_start3A_649 = tpu.memref_slice %arg5[%rem3A_245, %dma_start3A_642, %dma_start3A_648] : memref<2x8x125xi32, #tpu.memory_space<vmem>> -> memref<1x1x125xi32, #tpu.memory_space<vmem>>
        %dma_start3A_650 = tpu.memref_squeeze %dma_start3A_649 : memref<1x1x125xi32, #tpu.memory_space<vmem>> -> memref<125xi32, #tpu.memory_space<vmem>>
        %dma_start3A_651 = arith.constant 0 : i32
        %dma_start3A_652 = arith.constant 0 : i32
        %dma_start3A_653 = tpu.memref_slice %arg2[%dma_start3A_651, %dma_start3A_652] : memref<10000x128xf32, #tpu.memory_space<hbm>> -> memref<10000x128xf32, #tpu.memory_space<hbm>>
        tpu.enqueue_indirect_dma source(%dma_start3A_653 : memref<10000x128xf32, #tpu.memory_space<hbm>>) target(%dma_start3A_647 : memref<125x128xf32, #tpu.memory_space<vmem>>) offsets(%dma_start3A_650 : memref<125xi32, #tpu.memory_space<vmem>>) semaphore(%arg9 : memref<!tpu.dma_semaphore, #tpu.memory_space<semaphore_mem>>)
      } else {
      }
      %dma_wait3A_397 = arith.constant 0 : i32
      %dma_wait3A_398 = arith.constant 0 : i32
      %dma_wait3A_399 = arith.constant 1 : i32
      %dma_wait3A_400 = arith.constant 0 : i32
      %dma_wait3A_401 = arith.constant 0 : i32
      %dma_wait3A_402 = tpu.memref_slice %arg7[%dma_wait3A_399, %dma_wait3A_400, %dma_wait3A_401] : memref<2x125x128xf32, #tpu.memory_space<vmem>> -> memref<1x125x128xf32, #tpu.memory_space<vmem>>
      %dma_wait3A_403 = tpu.memref_squeeze %dma_wait3A_402 : memref<1x125x128xf32, #tpu.memory_space<vmem>> -> memref<125x128xf32, #tpu.memory_space<vmem>>
      %dma_wait3A_404 = arith.constant 0 : i32
      %dma_wait3A_405 = tpu.memref_slice %arg5[%dma_wait3A_397, %dma_wait3A_398, %dma_wait3A_404] : memref<2x8x125xi32, #tpu.memory_space<vmem>> -> memref<1x1x125xi32, #tpu.memory_space<vmem>>
      %dma_wait3A_406 = tpu.memref_squeeze %dma_wait3A_405 : memref<1x1x125xi32, #tpu.memory_space<vmem>> -> memref<125xi32, #tpu.memory_space<vmem>>
      %dma_wait3A_407 = arith.constant 0 : i32
      %dma_wait3A_408 = arith.constant 0 : i32
      %dma_wait3A_409 = tpu.memref_slice %arg2[%dma_wait3A_407, %dma_wait3A_408] : memref<10000x128xf32, #tpu.memory_space<hbm>> -> memref<10000x128xf32, #tpu.memory_space<hbm>>
      tpu.wait_indirect_dma semaphore(%arg9 : memref<!tpu.dma_semaphore, #tpu.memory_space<semaphore_mem>>) src(%dma_wait3A_409 : memref<10000x128xf32, #tpu.memory_space<hbm>>) dst(%dma_wait3A_403 : memref<125x128xf32, #tpu.memory_space<vmem>>)
      %dma_start3A_410 = arith.constant 1 : i32
      %dma_start3A_411 = arith.constant 3 : i32
      %dma_start3A_412 = arith.constant 0 : i32
      %dma_start3A_413 = arith.constant 0 : i32
      %dma_start3A_414 = tpu.memref_slice %arg7[%dma_start3A_410, %dma_start3A_412, %dma_start3A_413] : memref<2x125x128xf32, #tpu.memory_space<vmem>> -> memref<1x125x128xf32, #tpu.memory_space<vmem>>
      %dma_start3A_415 = tpu.memref_squeeze %dma_start3A_414 : memref<1x125x128xf32, #tpu.memory_space<vmem>> -> memref<125x128xf32, #tpu.memory_space<vmem>>
      %dma_start3A_416 = arith.constant 0 : i32
      %dma_start3A_417 = tpu.memref_slice %arg6[%rem3A_245, %dma_start3A_411, %dma_start3A_416] : memref<2x8x125xi32, #tpu.memory_space<vmem>> -> memref<1x1x125xi32, #tpu.memory_space<vmem>>
      %dma_start3A_418 = tpu.memref_squeeze %dma_start3A_417 : memref<1x1x125xi32, #tpu.memory_space<vmem>> -> memref<125xi32, #tpu.memory_space<vmem>>
      %dma_start3A_419 = arith.constant 0 : i32
      %dma_start3A_420 = arith.constant 0 : i32
      %dma_start3A_421 = tpu.memref_slice %arg8[%dma_start3A_419, %dma_start3A_420] : memref<10000x128xf32, #tpu.memory_space<vmem_shared>> -> memref<10000x128xf32, #tpu.memory_space<vmem_shared>>
      tpu.enqueue_indirect_dma source(%dma_start3A_415 : memref<125x128xf32, #tpu.memory_space<vmem>>) target(%dma_start3A_421 : memref<10000x128xf32, #tpu.memory_space<vmem_shared>>) offsets(%dma_start3A_418 : memref<125xi32, #tpu.memory_space<vmem>>) semaphore(%arg10 : memref<!tpu.dma_semaphore, #tpu.memory_space<semaphore_mem>>) {add = true}
      %dma_wait3A_422 = arith.constant 1 : i32
      %dma_wait3A_423 = arith.constant 0 : i32
      %dma_wait3A_424 = arith.constant 0 : i32
      %dma_wait3A_425 = arith.constant 0 : i32
      %dma_wait3A_426 = arith.constant 0 : i32
      %dma_wait3A_427 = tpu.memref_slice %arg7[%dma_wait3A_422, %dma_wait3A_425, %dma_wait3A_426] : memref<2x125x128xf32, #tpu.memory_space<vmem>> -> memref<1x125x128xf32, #tpu.memory_space<vmem>>
      %dma_wait3A_428 = tpu.memref_squeeze %dma_wait3A_427 : memref<1x125x128xf32, #tpu.memory_space<vmem>> -> memref<125x128xf32, #tpu.memory_space<vmem>>
      %dma_wait3A_429 = arith.constant 0 : i32
      %dma_wait3A_430 = tpu.memref_slice %arg6[%dma_wait3A_423, %dma_wait3A_424, %dma_wait3A_429] : memref<2x8x125xi32, #tpu.memory_space<vmem>> -> memref<1x1x125xi32, #tpu.memory_space<vmem>>
      %dma_wait3A_431 = tpu.memref_squeeze %dma_wait3A_430 : memref<1x1x125xi32, #tpu.memory_space<vmem>> -> memref<125xi32, #tpu.memory_space<vmem>>
      %dma_wait3A_432 = arith.constant 0 : i32
      %dma_wait3A_433 = arith.constant 0 : i32
      %dma_wait3A_434 = tpu.memref_slice %arg8[%dma_wait3A_432, %dma_wait3A_433] : memref<10000x128xf32, #tpu.memory_space<vmem_shared>> -> memref<10000x128xf32, #tpu.memory_space<vmem_shared>>
      tpu.wait_indirect_dma semaphore(%arg10 : memref<!tpu.dma_semaphore, #tpu.memory_space<semaphore_mem>>) src(%dma_wait3A_428 : memref<125x128xf32, #tpu.memory_space<vmem>>) dst(%dma_wait3A_434 : memref<10000x128xf32, #tpu.memory_space<vmem_shared>>)
      %mul3A_435 = arith.constant 8 : i32
      %mul3A_436 = arith.muli %mul3A_435, %scan3A_238 : i32
      %add3A_437 = arith.constant 3 : i32
      %add3A_438 = arith.addi %mul3A_436, %add3A_437 : i32
      %add3A_439 = arith.constant 2 : i32
      %add3A_440 = arith.addi %add3A_438, %add3A_439 : i32
      %lt3A_441 = arith.constant 80 : i32
      %lt3A_442 = arith.cmpi slt, %add3A_440, %lt3A_441 : i32
      %convert_element_type3A_443 = arith.extui %lt3A_442 : i1 to i32
      %cond3A_444 = arith.constant 0 : i32
      %cond3A_445 = arith.cmpi ne, %convert_element_type3A_443, %cond3A_444 : i32
      scf.if %cond3A_445 {
        %dma_start3A_642 = arith.constant 5 : i32
        %dma_start3A_643 = arith.constant 1 : i32
        %dma_start3A_644 = arith.constant 0 : i32
        %dma_start3A_645 = arith.constant 0 : i32
        %dma_start3A_646 = tpu.memref_slice %arg7[%dma_start3A_643, %dma_start3A_644, %dma_start3A_645] : memref<2x125x128xf32, #tpu.memory_space<vmem>> -> memref<1x125x128xf32, #tpu.memory_space<vmem>>
        %dma_start3A_647 = tpu.memref_squeeze %dma_start3A_646 : memref<1x125x128xf32, #tpu.memory_space<vmem>> -> memref<125x128xf32, #tpu.memory_space<vmem>>
        %dma_start3A_648 = arith.constant 0 : i32
        %dma_start3A_649 = tpu.memref_slice %arg5[%rem3A_245, %dma_start3A_642, %dma_start3A_648] : memref<2x8x125xi32, #tpu.memory_space<vmem>> -> memref<1x1x125xi32, #tpu.memory_space<vmem>>
        %dma_start3A_650 = tpu.memref_squeeze %dma_start3A_649 : memref<1x1x125xi32, #tpu.memory_space<vmem>> -> memref<125xi32, #tpu.memory_space<vmem>>
        %dma_start3A_651 = arith.constant 0 : i32
        %dma_start3A_652 = arith.constant 0 : i32
        %dma_start3A_653 = tpu.memref_slice %arg2[%dma_start3A_651, %dma_start3A_652] : memref<10000x128xf32, #tpu.memory_space<hbm>> -> memref<10000x128xf32, #tpu.memory_space<hbm>>
        tpu.enqueue_indirect_dma source(%dma_start3A_653 : memref<10000x128xf32, #tpu.memory_space<hbm>>) target(%dma_start3A_647 : memref<125x128xf32, #tpu.memory_space<vmem>>) offsets(%dma_start3A_650 : memref<125xi32, #tpu.memory_space<vmem>>) semaphore(%arg9 : memref<!tpu.dma_semaphore, #tpu.memory_space<semaphore_mem>>)
      } else {
      }
      %dma_wait3A_446 = arith.constant 0 : i32
      %dma_wait3A_447 = arith.constant 0 : i32
      %dma_wait3A_448 = arith.constant 0 : i32
      %dma_wait3A_449 = arith.constant 0 : i32
      %dma_wait3A_450 = arith.constant 0 : i32
      %dma_wait3A_451 = tpu.memref_slice %arg7[%dma_wait3A_448, %dma_wait3A_449, %dma_wait3A_450] : memref<2x125x128xf32, #tpu.memory_space<vmem>> -> memref<1x125x128xf32, #tpu.memory_space<vmem>>
      %dma_wait3A_452 = tpu.memref_squeeze %dma_wait3A_451 : memref<1x125x128xf32, #tpu.memory_space<vmem>> -> memref<125x128xf32, #tpu.memory_space<vmem>>
      %dma_wait3A_453 = arith.constant 0 : i32
      %dma_wait3A_454 = tpu.memref_slice %arg5[%dma_wait3A_446, %dma_wait3A_447, %dma_wait3A_453] : memref<2x8x125xi32, #tpu.memory_space<vmem>> -> memref<1x1x125xi32, #tpu.memory_space<vmem>>
      %dma_wait3A_455 = tpu.memref_squeeze %dma_wait3A_454 : memref<1x1x125xi32, #tpu.memory_space<vmem>> -> memref<125xi32, #tpu.memory_space<vmem>>
      %dma_wait3A_456 = arith.constant 0 : i32
      %dma_wait3A_457 = arith.constant 0 : i32
      %dma_wait3A_458 = tpu.memref_slice %arg2[%dma_wait3A_456, %dma_wait3A_457] : memref<10000x128xf32, #tpu.memory_space<hbm>> -> memref<10000x128xf32, #tpu.memory_space<hbm>>
      tpu.wait_indirect_dma semaphore(%arg9 : memref<!tpu.dma_semaphore, #tpu.memory_space<semaphore_mem>>) src(%dma_wait3A_458 : memref<10000x128xf32, #tpu.memory_space<hbm>>) dst(%dma_wait3A_452 : memref<125x128xf32, #tpu.memory_space<vmem>>)
      %dma_start3A_459 = arith.constant 0 : i32
      %dma_start3A_460 = arith.constant 4 : i32
      %dma_start3A_461 = arith.constant 0 : i32
      %dma_start3A_462 = arith.constant 0 : i32
      %dma_start3A_463 = tpu.memref_slice %arg7[%dma_start3A_459, %dma_start3A_461, %dma_start3A_462] : memref<2x125x128xf32, #tpu.memory_space<vmem>> -> memref<1x125x128xf32, #tpu.memory_space<vmem>>
      %dma_start3A_464 = tpu.memref_squeeze %dma_start3A_463 : memref<1x125x128xf32, #tpu.memory_space<vmem>> -> memref<125x128xf32, #tpu.memory_space<vmem>>
      %dma_start3A_465 = arith.constant 0 : i32
      %dma_start3A_466 = tpu.memref_slice %arg6[%rem3A_245, %dma_start3A_460, %dma_start3A_465] : memref<2x8x125xi32, #tpu.memory_space<vmem>> -> memref<1x1x125xi32, #tpu.memory_space<vmem>>
      %dma_start3A_467 = tpu.memref_squeeze %dma_start3A_466 : memref<1x1x125xi32, #tpu.memory_space<vmem>> -> memref<125xi32, #tpu.memory_space<vmem>>
      %dma_start3A_468 = arith.constant 0 : i32
      %dma_start3A_469 = arith.constant 0 : i32
      %dma_start3A_470 = tpu.memref_slice %arg8[%dma_start3A_468, %dma_start3A_469] : memref<10000x128xf32, #tpu.memory_space<vmem_shared>> -> memref<10000x128xf32, #tpu.memory_space<vmem_shared>>
      tpu.enqueue_indirect_dma source(%dma_start3A_464 : memref<125x128xf32, #tpu.memory_space<vmem>>) target(%dma_start3A_470 : memref<10000x128xf32, #tpu.memory_space<vmem_shared>>) offsets(%dma_start3A_467 : memref<125xi32, #tpu.memory_space<vmem>>) semaphore(%arg10 : memref<!tpu.dma_semaphore, #tpu.memory_space<semaphore_mem>>) {add = true}
      %dma_wait3A_471 = arith.constant 0 : i32
      %dma_wait3A_472 = arith.constant 0 : i32
      %dma_wait3A_473 = arith.constant 0 : i32
      %dma_wait3A_474 = arith.constant 0 : i32
      %dma_wait3A_475 = arith.constant 0 : i32
      %dma_wait3A_476 = tpu.memref_slice %arg7[%dma_wait3A_471, %dma_wait3A_474, %dma_wait3A_475] : memref<2x125x128xf32, #tpu.memory_space<vmem>> -> memref<1x125x128xf32, #tpu.memory_space<vmem>>
      %dma_wait3A_477 = tpu.memref_squeeze %dma_wait3A_476 : memref<1x125x128xf32, #tpu.memory_space<vmem>> -> memref<125x128xf32, #tpu.memory_space<vmem>>
      %dma_wait3A_478 = arith.constant 0 : i32
      %dma_wait3A_479 = tpu.memref_slice %arg6[%dma_wait3A_472, %dma_wait3A_473, %dma_wait3A_478] : memref<2x8x125xi32, #tpu.memory_space<vmem>> -> memref<1x1x125xi32, #tpu.memory_space<vmem>>
      %dma_wait3A_480 = tpu.memref_squeeze %dma_wait3A_479 : memref<1x1x125xi32, #tpu.memory_space<vmem>> -> memref<125xi32, #tpu.memory_space<vmem>>
      %dma_wait3A_481 = arith.constant 0 : i32
      %dma_wait3A_482 = arith.constant 0 : i32
      %dma_wait3A_483 = tpu.memref_slice %arg8[%dma_wait3A_481, %dma_wait3A_482] : memref<10000x128xf32, #tpu.memory_space<vmem_shared>> -> memref<10000x128xf32, #tpu.memory_space<vmem_shared>>
      tpu.wait_indirect_dma semaphore(%arg10 : memref<!tpu.dma_semaphore, #tpu.memory_space<semaphore_mem>>) src(%dma_wait3A_477 : memref<125x128xf32, #tpu.memory_space<vmem>>) dst(%dma_wait3A_483 : memref<10000x128xf32, #tpu.memory_space<vmem_shared>>)
      %mul3A_484 = arith.constant 8 : i32
      %mul3A_485 = arith.muli %mul3A_484, %scan3A_238 : i32
      %add3A_486 = arith.constant 4 : i32
      %add3A_487 = arith.addi %mul3A_485, %add3A_486 : i32
      %add3A_488 = arith.constant 2 : i32
      %add3A_489 = arith.addi %add3A_487, %add3A_488 : i32
      %lt3A_490 = arith.constant 80 : i32
      %lt3A_491 = arith.cmpi slt, %add3A_489, %lt3A_490 : i32
      %convert_element_type3A_492 = arith.extui %lt3A_491 : i1 to i32
      %cond3A_493 = arith.constant 0 : i32
      %cond3A_494 = arith.cmpi ne, %convert_element_type3A_492, %cond3A_493 : i32
      scf.if %cond3A_494 {
        %dma_start3A_642 = arith.constant 6 : i32
        %dma_start3A_643 = arith.constant 0 : i32
        %dma_start3A_644 = arith.constant 0 : i32
        %dma_start3A_645 = arith.constant 0 : i32
        %dma_start3A_646 = tpu.memref_slice %arg7[%dma_start3A_643, %dma_start3A_644, %dma_start3A_645] : memref<2x125x128xf32, #tpu.memory_space<vmem>> -> memref<1x125x128xf32, #tpu.memory_space<vmem>>
        %dma_start3A_647 = tpu.memref_squeeze %dma_start3A_646 : memref<1x125x128xf32, #tpu.memory_space<vmem>> -> memref<125x128xf32, #tpu.memory_space<vmem>>
        %dma_start3A_648 = arith.constant 0 : i32
        %dma_start3A_649 = tpu.memref_slice %arg5[%rem3A_245, %dma_start3A_642, %dma_start3A_648] : memref<2x8x125xi32, #tpu.memory_space<vmem>> -> memref<1x1x125xi32, #tpu.memory_space<vmem>>
        %dma_start3A_650 = tpu.memref_squeeze %dma_start3A_649 : memref<1x1x125xi32, #tpu.memory_space<vmem>> -> memref<125xi32, #tpu.memory_space<vmem>>
        %dma_start3A_651 = arith.constant 0 : i32
        %dma_start3A_652 = arith.constant 0 : i32
        %dma_start3A_653 = tpu.memref_slice %arg2[%dma_start3A_651, %dma_start3A_652] : memref<10000x128xf32, #tpu.memory_space<hbm>> -> memref<10000x128xf32, #tpu.memory_space<hbm>>
        tpu.enqueue_indirect_dma source(%dma_start3A_653 : memref<10000x128xf32, #tpu.memory_space<hbm>>) target(%dma_start3A_647 : memref<125x128xf32, #tpu.memory_space<vmem>>) offsets(%dma_start3A_650 : memref<125xi32, #tpu.memory_space<vmem>>) semaphore(%arg9 : memref<!tpu.dma_semaphore, #tpu.memory_space<semaphore_mem>>)
      } else {
      }
      %dma_wait3A_495 = arith.constant 0 : i32
      %dma_wait3A_496 = arith.constant 0 : i32
      %dma_wait3A_497 = arith.constant 1 : i32
      %dma_wait3A_498 = arith.constant 0 : i32
      %dma_wait3A_499 = arith.constant 0 : i32
      %dma_wait3A_500 = tpu.memref_slice %arg7[%dma_wait3A_497, %dma_wait3A_498, %dma_wait3A_499] : memref<2x125x128xf32, #tpu.memory_space<vmem>> -> memref<1x125x128xf32, #tpu.memory_space<vmem>>
      %dma_wait3A_501 = tpu.memref_squeeze %dma_wait3A_500 : memref<1x125x128xf32, #tpu.memory_space<vmem>> -> memref<125x128xf32, #tpu.memory_space<vmem>>
      %dma_wait3A_502 = arith.constant 0 : i32
      %dma_wait3A_503 = tpu.memref_slice %arg5[%dma_wait3A_495, %dma_wait3A_496, %dma_wait3A_502] : memref<2x8x125xi32, #tpu.memory_space<vmem>> -> memref<1x1x125xi32, #tpu.memory_space<vmem>>
      %dma_wait3A_504 = tpu.memref_squeeze %dma_wait3A_503 : memref<1x1x125xi32, #tpu.memory_space<vmem>> -> memref<125xi32, #tpu.memory_space<vmem>>
      %dma_wait3A_505 = arith.constant 0 : i32
      %dma_wait3A_506 = arith.constant 0 : i32
      %dma_wait3A_507 = tpu.memref_slice %arg2[%dma_wait3A_505, %dma_wait3A_506] : memref<10000x128xf32, #tpu.memory_space<hbm>> -> memref<10000x128xf32, #tpu.memory_space<hbm>>
      tpu.wait_indirect_dma semaphore(%arg9 : memref<!tpu.dma_semaphore, #tpu.memory_space<semaphore_mem>>) src(%dma_wait3A_507 : memref<10000x128xf32, #tpu.memory_space<hbm>>) dst(%dma_wait3A_501 : memref<125x128xf32, #tpu.memory_space<vmem>>)
      %dma_start3A_508 = arith.constant 1 : i32
      %dma_start3A_509 = arith.constant 5 : i32
      %dma_start3A_510 = arith.constant 0 : i32
      %dma_start3A_511 = arith.constant 0 : i32
      %dma_start3A_512 = tpu.memref_slice %arg7[%dma_start3A_508, %dma_start3A_510, %dma_start3A_511] : memref<2x125x128xf32, #tpu.memory_space<vmem>> -> memref<1x125x128xf32, #tpu.memory_space<vmem>>
      %dma_start3A_513 = tpu.memref_squeeze %dma_start3A_512 : memref<1x125x128xf32, #tpu.memory_space<vmem>> -> memref<125x128xf32, #tpu.memory_space<vmem>>
      %dma_start3A_514 = arith.constant 0 : i32
      %dma_start3A_515 = tpu.memref_slice %arg6[%rem3A_245, %dma_start3A_509, %dma_start3A_514] : memref<2x8x125xi32, #tpu.memory_space<vmem>> -> memref<1x1x125xi32, #tpu.memory_space<vmem>>
      %dma_start3A_516 = tpu.memref_squeeze %dma_start3A_515 : memref<1x1x125xi32, #tpu.memory_space<vmem>> -> memref<125xi32, #tpu.memory_space<vmem>>
      %dma_start3A_517 = arith.constant 0 : i32
      %dma_start3A_518 = arith.constant 0 : i32
      %dma_start3A_519 = tpu.memref_slice %arg8[%dma_start3A_517, %dma_start3A_518] : memref<10000x128xf32, #tpu.memory_space<vmem_shared>> -> memref<10000x128xf32, #tpu.memory_space<vmem_shared>>
      tpu.enqueue_indirect_dma source(%dma_start3A_513 : memref<125x128xf32, #tpu.memory_space<vmem>>) target(%dma_start3A_519 : memref<10000x128xf32, #tpu.memory_space<vmem_shared>>) offsets(%dma_start3A_516 : memref<125xi32, #tpu.memory_space<vmem>>) semaphore(%arg10 : memref<!tpu.dma_semaphore, #tpu.memory_space<semaphore_mem>>) {add = true}
      %dma_wait3A_520 = arith.constant 1 : i32
      %dma_wait3A_521 = arith.constant 0 : i32
      %dma_wait3A_522 = arith.constant 0 : i32
      %dma_wait3A_523 = arith.constant 0 : i32
      %dma_wait3A_524 = arith.constant 0 : i32
      %dma_wait3A_525 = tpu.memref_slice %arg7[%dma_wait3A_520, %dma_wait3A_523, %dma_wait3A_524] : memref<2x125x128xf32, #tpu.memory_space<vmem>> -> memref<1x125x128xf32, #tpu.memory_space<vmem>>
      %dma_wait3A_526 = tpu.memref_squeeze %dma_wait3A_525 : memref<1x125x128xf32, #tpu.memory_space<vmem>> -> memref<125x128xf32, #tpu.memory_space<vmem>>
      %dma_wait3A_527 = arith.constant 0 : i32
      %dma_wait3A_528 = tpu.memref_slice %arg6[%dma_wait3A_521, %dma_wait3A_522, %dma_wait3A_527] : memref<2x8x125xi32, #tpu.memory_space<vmem>> -> memref<1x1x125xi32, #tpu.memory_space<vmem>>
      %dma_wait3A_529 = tpu.memref_squeeze %dma_wait3A_528 : memref<1x1x125xi32, #tpu.memory_space<vmem>> -> memref<125xi32, #tpu.memory_space<vmem>>
      %dma_wait3A_530 = arith.constant 0 : i32
      %dma_wait3A_531 = arith.constant 0 : i32
      %dma_wait3A_532 = tpu.memref_slice %arg8[%dma_wait3A_530, %dma_wait3A_531] : memref<10000x128xf32, #tpu.memory_space<vmem_shared>> -> memref<10000x128xf32, #tpu.memory_space<vmem_shared>>
      tpu.wait_indirect_dma semaphore(%arg10 : memref<!tpu.dma_semaphore, #tpu.memory_space<semaphore_mem>>) src(%dma_wait3A_526 : memref<125x128xf32, #tpu.memory_space<vmem>>) dst(%dma_wait3A_532 : memref<10000x128xf32, #tpu.memory_space<vmem_shared>>)
      %mul3A_533 = arith.constant 8 : i32
      %mul3A_534 = arith.muli %mul3A_533, %scan3A_238 : i32
      %add3A_535 = arith.constant 5 : i32
      %add3A_536 = arith.addi %mul3A_534, %add3A_535 : i32
      %add3A_537 = arith.constant 2 : i32
      %add3A_538 = arith.addi %add3A_536, %add3A_537 : i32
      %lt3A_539 = arith.constant 80 : i32
      %lt3A_540 = arith.cmpi slt, %add3A_538, %lt3A_539 : i32
      %convert_element_type3A_541 = arith.extui %lt3A_540 : i1 to i32
      %cond3A_542 = arith.constant 0 : i32
      %cond3A_543 = arith.cmpi ne, %convert_element_type3A_541, %cond3A_542 : i32
      scf.if %cond3A_543 {
        %dma_start3A_642 = arith.constant 7 : i32
        %dma_start3A_643 = arith.constant 1 : i32
        %dma_start3A_644 = arith.constant 0 : i32
        %dma_start3A_645 = arith.constant 0 : i32
        %dma_start3A_646 = tpu.memref_slice %arg7[%dma_start3A_643, %dma_start3A_644, %dma_start3A_645] : memref<2x125x128xf32, #tpu.memory_space<vmem>> -> memref<1x125x128xf32, #tpu.memory_space<vmem>>
        %dma_start3A_647 = tpu.memref_squeeze %dma_start3A_646 : memref<1x125x128xf32, #tpu.memory_space<vmem>> -> memref<125x128xf32, #tpu.memory_space<vmem>>
        %dma_start3A_648 = arith.constant 0 : i32
        %dma_start3A_649 = tpu.memref_slice %arg5[%rem3A_245, %dma_start3A_642, %dma_start3A_648] : memref<2x8x125xi32, #tpu.memory_space<vmem>> -> memref<1x1x125xi32, #tpu.memory_space<vmem>>
        %dma_start3A_650 = tpu.memref_squeeze %dma_start3A_649 : memref<1x1x125xi32, #tpu.memory_space<vmem>> -> memref<125xi32, #tpu.memory_space<vmem>>
        %dma_start3A_651 = arith.constant 0 : i32
        %dma_start3A_652 = arith.constant 0 : i32
        %dma_start3A_653 = tpu.memref_slice %arg2[%dma_start3A_651, %dma_start3A_652] : memref<10000x128xf32, #tpu.memory_space<hbm>> -> memref<10000x128xf32, #tpu.memory_space<hbm>>
        tpu.enqueue_indirect_dma source(%dma_start3A_653 : memref<10000x128xf32, #tpu.memory_space<hbm>>) target(%dma_start3A_647 : memref<125x128xf32, #tpu.memory_space<vmem>>) offsets(%dma_start3A_650 : memref<125xi32, #tpu.memory_space<vmem>>) semaphore(%arg9 : memref<!tpu.dma_semaphore, #tpu.memory_space<semaphore_mem>>)
      } else {
      }
      %dma_wait3A_544 = arith.constant 0 : i32
      %dma_wait3A_545 = arith.constant 0 : i32
      %dma_wait3A_546 = arith.constant 0 : i32
      %dma_wait3A_547 = arith.constant 0 : i32
      %dma_wait3A_548 = arith.constant 0 : i32
      %dma_wait3A_549 = tpu.memref_slice %arg7[%dma_wait3A_546, %dma_wait3A_547, %dma_wait3A_548] : memref<2x125x128xf32, #tpu.memory_space<vmem>> -> memref<1x125x128xf32, #tpu.memory_space<vmem>>
      %dma_wait3A_550 = tpu.memref_squeeze %dma_wait3A_549 : memref<1x125x128xf32, #tpu.memory_space<vmem>> -> memref<125x128xf32, #tpu.memory_space<vmem>>
      %dma_wait3A_551 = arith.constant 0 : i32
      %dma_wait3A_552 = tpu.memref_slice %arg5[%dma_wait3A_544, %dma_wait3A_545, %dma_wait3A_551] : memref<2x8x125xi32, #tpu.memory_space<vmem>> -> memref<1x1x125xi32, #tpu.memory_space<vmem>>
      %dma_wait3A_553 = tpu.memref_squeeze %dma_wait3A_552 : memref<1x1x125xi32, #tpu.memory_space<vmem>> -> memref<125xi32, #tpu.memory_space<vmem>>
      %dma_wait3A_554 = arith.constant 0 : i32
      %dma_wait3A_555 = arith.constant 0 : i32
      %dma_wait3A_556 = tpu.memref_slice %arg2[%dma_wait3A_554, %dma_wait3A_555] : memref<10000x128xf32, #tpu.memory_space<hbm>> -> memref<10000x128xf32, #tpu.memory_space<hbm>>
      tpu.wait_indirect_dma semaphore(%arg9 : memref<!tpu.dma_semaphore, #tpu.memory_space<semaphore_mem>>) src(%dma_wait3A_556 : memref<10000x128xf32, #tpu.memory_space<hbm>>) dst(%dma_wait3A_550 : memref<125x128xf32, #tpu.memory_space<vmem>>)
      %dma_start3A_557 = arith.constant 0 : i32
      %dma_start3A_558 = arith.constant 6 : i32
      %dma_start3A_559 = arith.constant 0 : i32
      %dma_start3A_560 = arith.constant 0 : i32
      %dma_start3A_561 = tpu.memref_slice %arg7[%dma_start3A_557, %dma_start3A_559, %dma_start3A_560] : memref<2x125x128xf32, #tpu.memory_space<vmem>> -> memref<1x125x128xf32, #tpu.memory_space<vmem>>
      %dma_start3A_562 = tpu.memref_squeeze %dma_start3A_561 : memref<1x125x128xf32, #tpu.memory_space<vmem>> -> memref<125x128xf32, #tpu.memory_space<vmem>>
      %dma_start3A_563 = arith.constant 0 : i32
      %dma_start3A_564 = tpu.memref_slice %arg6[%rem3A_245, %dma_start3A_558, %dma_start3A_563] : memref<2x8x125xi32, #tpu.memory_space<vmem>> -> memref<1x1x125xi32, #tpu.memory_space<vmem>>
      %dma_start3A_565 = tpu.memref_squeeze %dma_start3A_564 : memref<1x1x125xi32, #tpu.memory_space<vmem>> -> memref<125xi32, #tpu.memory_space<vmem>>
      %dma_start3A_566 = arith.constant 0 : i32
      %dma_start3A_567 = arith.constant 0 : i32
      %dma_start3A_568 = tpu.memref_slice %arg8[%dma_start3A_566, %dma_start3A_567] : memref<10000x128xf32, #tpu.memory_space<vmem_shared>> -> memref<10000x128xf32, #tpu.memory_space<vmem_shared>>
      tpu.enqueue_indirect_dma source(%dma_start3A_562 : memref<125x128xf32, #tpu.memory_space<vmem>>) target(%dma_start3A_568 : memref<10000x128xf32, #tpu.memory_space<vmem_shared>>) offsets(%dma_start3A_565 : memref<125xi32, #tpu.memory_space<vmem>>) semaphore(%arg10 : memref<!tpu.dma_semaphore, #tpu.memory_space<semaphore_mem>>) {add = true}
      %dma_wait3A_569 = arith.constant 0 : i32
      %dma_wait3A_570 = arith.constant 0 : i32
      %dma_wait3A_571 = arith.constant 0 : i32
      %dma_wait3A_572 = arith.constant 0 : i32
      %dma_wait3A_573 = arith.constant 0 : i32
      %dma_wait3A_574 = tpu.memref_slice %arg7[%dma_wait3A_569, %dma_wait3A_572, %dma_wait3A_573] : memref<2x125x128xf32, #tpu.memory_space<vmem>> -> memref<1x125x128xf32, #tpu.memory_space<vmem>>
      %dma_wait3A_575 = tpu.memref_squeeze %dma_wait3A_574 : memref<1x125x128xf32, #tpu.memory_space<vmem>> -> memref<125x128xf32, #tpu.memory_space<vmem>>
      %dma_wait3A_576 = arith.constant 0 : i32
      %dma_wait3A_577 = tpu.memref_slice %arg6[%dma_wait3A_570, %dma_wait3A_571, %dma_wait3A_576] : memref<2x8x125xi32, #tpu.memory_space<vmem>> -> memref<1x1x125xi32, #tpu.memory_space<vmem>>
      %dma_wait3A_578 = tpu.memref_squeeze %dma_wait3A_577 : memref<1x1x125xi32, #tpu.memory_space<vmem>> -> memref<125xi32, #tpu.memory_space<vmem>>
      %dma_wait3A_579 = arith.constant 0 : i32
      %dma_wait3A_580 = arith.constant 0 : i32
      %dma_wait3A_581 = tpu.memref_slice %arg8[%dma_wait3A_579, %dma_wait3A_580] : memref<10000x128xf32, #tpu.memory_space<vmem_shared>> -> memref<10000x128xf32, #tpu.memory_space<vmem_shared>>
      tpu.wait_indirect_dma semaphore(%arg10 : memref<!tpu.dma_semaphore, #tpu.memory_space<semaphore_mem>>) src(%dma_wait3A_575 : memref<125x128xf32, #tpu.memory_space<vmem>>) dst(%dma_wait3A_581 : memref<10000x128xf32, #tpu.memory_space<vmem_shared>>)
      %mul3A_582 = arith.constant 8 : i32
      %mul3A_583 = arith.muli %mul3A_582, %scan3A_238 : i32
      %add3A_584 = arith.constant 6 : i32
      %add3A_585 = arith.addi %mul3A_583, %add3A_584 : i32
      %add3A_586 = arith.constant 2 : i32
      %add3A_587 = arith.addi %add3A_585, %add3A_586 : i32
      %lt3A_588 = arith.constant 80 : i32
      %lt3A_589 = arith.cmpi slt, %add3A_587, %lt3A_588 : i32
      %convert_element_type3A_590 = arith.extui %lt3A_589 : i1 to i32
      %cond3A_591 = arith.constant 0 : i32
      %cond3A_592 = arith.cmpi ne, %convert_element_type3A_590, %cond3A_591 : i32
      scf.if %cond3A_592 {
        %dma_start3A_642 = arith.constant 0 : i32
        %dma_start3A_643 = arith.constant 0 : i32
        %dma_start3A_644 = arith.constant 0 : i32
        %dma_start3A_645 = arith.constant 0 : i32
        %dma_start3A_646 = tpu.memref_slice %arg7[%dma_start3A_643, %dma_start3A_644, %dma_start3A_645] : memref<2x125x128xf32, #tpu.memory_space<vmem>> -> memref<1x125x128xf32, #tpu.memory_space<vmem>>
        %dma_start3A_647 = tpu.memref_squeeze %dma_start3A_646 : memref<1x125x128xf32, #tpu.memory_space<vmem>> -> memref<125x128xf32, #tpu.memory_space<vmem>>
        %dma_start3A_648 = arith.constant 0 : i32
        %dma_start3A_649 = tpu.memref_slice %arg5[%rem3A_249, %dma_start3A_642, %dma_start3A_648] : memref<2x8x125xi32, #tpu.memory_space<vmem>> -> memref<1x1x125xi32, #tpu.memory_space<vmem>>
        %dma_start3A_650 = tpu.memref_squeeze %dma_start3A_649 : memref<1x1x125xi32, #tpu.memory_space<vmem>> -> memref<125xi32, #tpu.memory_space<vmem>>
        %dma_start3A_651 = arith.constant 0 : i32
        %dma_start3A_652 = arith.constant 0 : i32
        %dma_start3A_653 = tpu.memref_slice %arg2[%dma_start3A_651, %dma_start3A_652] : memref<10000x128xf32, #tpu.memory_space<hbm>> -> memref<10000x128xf32, #tpu.memory_space<hbm>>
        tpu.enqueue_indirect_dma source(%dma_start3A_653 : memref<10000x128xf32, #tpu.memory_space<hbm>>) target(%dma_start3A_647 : memref<125x128xf32, #tpu.memory_space<vmem>>) offsets(%dma_start3A_650 : memref<125xi32, #tpu.memory_space<vmem>>) semaphore(%arg9 : memref<!tpu.dma_semaphore, #tpu.memory_space<semaphore_mem>>)
      } else {
      }
      %dma_wait3A_593 = arith.constant 0 : i32
      %dma_wait3A_594 = arith.constant 0 : i32
      %dma_wait3A_595 = arith.constant 1 : i32
      %dma_wait3A_596 = arith.constant 0 : i32
      %dma_wait3A_597 = arith.constant 0 : i32
      %dma_wait3A_598 = tpu.memref_slice %arg7[%dma_wait3A_595, %dma_wait3A_596, %dma_wait3A_597] : memref<2x125x128xf32, #tpu.memory_space<vmem>> -> memref<1x125x128xf32, #tpu.memory_space<vmem>>
      %dma_wait3A_599 = tpu.memref_squeeze %dma_wait3A_598 : memref<1x125x128xf32, #tpu.memory_space<vmem>> -> memref<125x128xf32, #tpu.memory_space<vmem>>
      %dma_wait3A_600 = arith.constant 0 : i32
      %dma_wait3A_601 = tpu.memref_slice %arg5[%dma_wait3A_593, %dma_wait3A_594, %dma_wait3A_600] : memref<2x8x125xi32, #tpu.memory_space<vmem>> -> memref<1x1x125xi32, #tpu.memory_space<vmem>>
      %dma_wait3A_602 = tpu.memref_squeeze %dma_wait3A_601 : memref<1x1x125xi32, #tpu.memory_space<vmem>> -> memref<125xi32, #tpu.memory_space<vmem>>
      %dma_wait3A_603 = arith.constant 0 : i32
      %dma_wait3A_604 = arith.constant 0 : i32
      %dma_wait3A_605 = tpu.memref_slice %arg2[%dma_wait3A_603, %dma_wait3A_604] : memref<10000x128xf32, #tpu.memory_space<hbm>> -> memref<10000x128xf32, #tpu.memory_space<hbm>>
      tpu.wait_indirect_dma semaphore(%arg9 : memref<!tpu.dma_semaphore, #tpu.memory_space<semaphore_mem>>) src(%dma_wait3A_605 : memref<10000x128xf32, #tpu.memory_space<hbm>>) dst(%dma_wait3A_599 : memref<125x128xf32, #tpu.memory_space<vmem>>)
      %dma_start3A_606 = arith.constant 1 : i32
      %dma_start3A_607 = arith.constant 7 : i32
      %dma_start3A_608 = arith.constant 0 : i32
      %dma_start3A_609 = arith.constant 0 : i32
      %dma_start3A_610 = tpu.memref_slice %arg7[%dma_start3A_606, %dma_start3A_608, %dma_start3A_609] : memref<2x125x128xf32, #tpu.memory_space<vmem>> -> memref<1x125x128xf32, #tpu.memory_space<vmem>>
      %dma_start3A_611 = tpu.memref_squeeze %dma_start3A_610 : memref<1x125x128xf32, #tpu.memory_space<vmem>> -> memref<125x128xf32, #tpu.memory_space<vmem>>
      %dma_start3A_612 = arith.constant 0 : i32
      %dma_start3A_613 = tpu.memref_slice %arg6[%rem3A_245, %dma_start3A_607, %dma_start3A_612] : memref<2x8x125xi32, #tpu.memory_space<vmem>> -> memref<1x1x125xi32, #tpu.memory_space<vmem>>
      %dma_start3A_614 = tpu.memref_squeeze %dma_start3A_613 : memref<1x1x125xi32, #tpu.memory_space<vmem>> -> memref<125xi32, #tpu.memory_space<vmem>>
      %dma_start3A_615 = arith.constant 0 : i32
      %dma_start3A_616 = arith.constant 0 : i32
      %dma_start3A_617 = tpu.memref_slice %arg8[%dma_start3A_615, %dma_start3A_616] : memref<10000x128xf32, #tpu.memory_space<vmem_shared>> -> memref<10000x128xf32, #tpu.memory_space<vmem_shared>>
      tpu.enqueue_indirect_dma source(%dma_start3A_611 : memref<125x128xf32, #tpu.memory_space<vmem>>) target(%dma_start3A_617 : memref<10000x128xf32, #tpu.memory_space<vmem_shared>>) offsets(%dma_start3A_614 : memref<125xi32, #tpu.memory_space<vmem>>) semaphore(%arg10 : memref<!tpu.dma_semaphore, #tpu.memory_space<semaphore_mem>>) {add = true}
      %dma_wait3A_618 = arith.constant 1 : i32
      %dma_wait3A_619 = arith.constant 0 : i32
      %dma_wait3A_620 = arith.constant 0 : i32
      %dma_wait3A_621 = arith.constant 0 : i32
      %dma_wait3A_622 = arith.constant 0 : i32
      %dma_wait3A_623 = tpu.memref_slice %arg7[%dma_wait3A_618, %dma_wait3A_621, %dma_wait3A_622] : memref<2x125x128xf32, #tpu.memory_space<vmem>> -> memref<1x125x128xf32, #tpu.memory_space<vmem>>
      %dma_wait3A_624 = tpu.memref_squeeze %dma_wait3A_623 : memref<1x125x128xf32, #tpu.memory_space<vmem>> -> memref<125x128xf32, #tpu.memory_space<vmem>>
      %dma_wait3A_625 = arith.constant 0 : i32
      %dma_wait3A_626 = tpu.memref_slice %arg6[%dma_wait3A_619, %dma_wait3A_620, %dma_wait3A_625] : memref<2x8x125xi32, #tpu.memory_space<vmem>> -> memref<1x1x125xi32, #tpu.memory_space<vmem>>
      %dma_wait3A_627 = tpu.memref_squeeze %dma_wait3A_626 : memref<1x1x125xi32, #tpu.memory_space<vmem>> -> memref<125xi32, #tpu.memory_space<vmem>>
      %dma_wait3A_628 = arith.constant 0 : i32
      %dma_wait3A_629 = arith.constant 0 : i32
      %dma_wait3A_630 = tpu.memref_slice %arg8[%dma_wait3A_628, %dma_wait3A_629] : memref<10000x128xf32, #tpu.memory_space<vmem_shared>> -> memref<10000x128xf32, #tpu.memory_space<vmem_shared>>
      tpu.wait_indirect_dma semaphore(%arg10 : memref<!tpu.dma_semaphore, #tpu.memory_space<semaphore_mem>>) src(%dma_wait3A_624 : memref<125x128xf32, #tpu.memory_space<vmem>>) dst(%dma_wait3A_630 : memref<10000x128xf32, #tpu.memory_space<vmem_shared>>)
      %mul3A_631 = arith.constant 8 : i32
      %mul3A_632 = arith.muli %mul3A_631, %scan3A_238 : i32
      %add3A_633 = arith.constant 7 : i32
      %add3A_634 = arith.addi %mul3A_632, %add3A_633 : i32
      %add3A_635 = arith.constant 2 : i32
      %add3A_636 = arith.addi %add3A_634, %add3A_635 : i32
      %lt3A_637 = arith.constant 80 : i32
      %lt3A_638 = arith.cmpi slt, %add3A_636, %lt3A_637 : i32
      %convert_element_type3A_639 = arith.extui %lt3A_638 : i1 to i32
      %cond3A_640 = arith.constant 0 : i32
      %cond3A_641 = arith.cmpi ne, %convert_element_type3A_639, %cond3A_640 : i32
      scf.if %cond3A_641 {
        %dma_start3A_642 = arith.constant 1 : i32
        %dma_start3A_643 = arith.constant 1 : i32
        %dma_start3A_644 = arith.constant 0 : i32
        %dma_start3A_645 = arith.constant 0 : i32
        %dma_start3A_646 = tpu.memref_slice %arg7[%dma_start3A_643, %dma_start3A_644, %dma_start3A_645] : memref<2x125x128xf32, #tpu.memory_space<vmem>> -> memref<1x125x128xf32, #tpu.memory_space<vmem>>
        %dma_start3A_647 = tpu.memref_squeeze %dma_start3A_646 : memref<1x125x128xf32, #tpu.memory_space<vmem>> -> memref<125x128xf32, #tpu.memory_space<vmem>>
        %dma_start3A_648 = arith.constant 0 : i32
        %dma_start3A_649 = tpu.memref_slice %arg5[%rem3A_249, %dma_start3A_642, %dma_start3A_648] : memref<2x8x125xi32, #tpu.memory_space<vmem>> -> memref<1x1x125xi32, #tpu.memory_space<vmem>>
        %dma_start3A_650 = tpu.memref_squeeze %dma_start3A_649 : memref<1x1x125xi32, #tpu.memory_space<vmem>> -> memref<125xi32, #tpu.memory_space<vmem>>
        %dma_start3A_651 = arith.constant 0 : i32
        %dma_start3A_652 = arith.constant 0 : i32
        %dma_start3A_653 = tpu.memref_slice %arg2[%dma_start3A_651, %dma_start3A_652] : memref<10000x128xf32, #tpu.memory_space<hbm>> -> memref<10000x128xf32, #tpu.memory_space<hbm>>
        tpu.enqueue_indirect_dma source(%dma_start3A_653 : memref<10000x128xf32, #tpu.memory_space<hbm>>) target(%dma_start3A_647 : memref<125x128xf32, #tpu.memory_space<vmem>>) offsets(%dma_start3A_650 : memref<125xi32, #tpu.memory_space<vmem>>) semaphore(%arg9 : memref<!tpu.dma_semaphore, #tpu.memory_space<semaphore_mem>>)
      } else {
      }
    }
    %scan3A_231 = arith.constant 10 : i32
    %barrier3A_232 = arith.constant 0 : index
    tpu.barrier barrier_id(%barrier3A_232)
    "tpu.region"() ({
      %run_scoped3A_238 = tpu.sem_alloc : memref<!tpu.dma_semaphore, #tpu.memory_space<semaphore_mem>>
      %dma_start3A_239 = arith.constant 0 : i32
      %dma_start3A_240 = tpu.memref_slice %arg4[%arg0, %multiple_of3A, %dma_start3A_239] : memref<2x10000x128xf32, #tpu.memory_space<hbm>> -> memref<1x624x128xf32, #tpu.memory_space<hbm>>
      %dma_start3A_241 = tpu.memref_squeeze %dma_start3A_240 : memref<1x624x128xf32, #tpu.memory_space<hbm>> -> memref<624x128xf32, #tpu.memory_space<hbm>>
      %dma_start3A_242 = arith.constant 0 : i32
      %dma_start3A_243 = tpu.memref_slice %arg8[%multiple_of3A, %dma_start3A_242] : memref<10000x128xf32, #tpu.memory_space<vmem_shared>> -> memref<624x128xf32, #tpu.memory_space<vmem_shared>>
      tpu.enqueue_dma source(%dma_start3A_243 : memref<624x128xf32, #tpu.memory_space<vmem_shared>>) target(%dma_start3A_241 : memref<624x128xf32, #tpu.memory_space<hbm>>) target_semaphore(%run_scoped3A_238 : memref<!tpu.dma_semaphore, #tpu.memory_space<semaphore_mem>>)
      %dma_wait3A_244 = arith.constant 0 : i32
      %dma_wait3A_245 = tpu.memref_slice %arg4[%arg0, %multiple_of3A, %dma_wait3A_244] : memref<2x10000x128xf32, #tpu.memory_space<hbm>> -> memref<1x624x128xf32, #tpu.memory_space<hbm>>
      %dma_wait3A_246 = tpu.memref_squeeze %dma_wait3A_245 : memref<1x624x128xf32, #tpu.memory_space<hbm>> -> memref<624x128xf32, #tpu.memory_space<hbm>>
      %dma_wait3A_247 = arith.constant 0 : i32
      %dma_wait3A_248 = tpu.memref_slice %arg8[%multiple_of3A, %dma_wait3A_247] : memref<10000x128xf32, #tpu.memory_space<vmem_shared>> -> memref<624x128xf32, #tpu.memory_space<vmem_shared>>
      tpu.wait_dma2 semaphore(%run_scoped3A_238 : memref<!tpu.dma_semaphore, #tpu.memory_space<semaphore_mem>>) src(%dma_wait3A_248 : memref<624x128xf32, #tpu.memory_space<vmem_shared>>) dst(%dma_wait3A_246 : memref<624x128xf32, #tpu.memory_space<hbm>>)
      tpu.yield
    }) : () -> ()
    %eq3A_233 = arith.constant 0 : i32
    %eq3A_234 = arith.cmpi eq, %arg1, %eq3A_233 : i32
    %convert_element_type3A_235 = arith.extui %eq3A_234 : i1 to i32
    %cond3A_236 = arith.constant 0 : i32
    %cond3A_237 = arith.cmpi ne, %convert_element_type3A_235, %cond3A_236 : i32
    scf.if %cond3A_237 {
      "tpu.region"() ({
        %run_scoped3A_238 = tpu.sem_alloc : memref<!tpu.dma_semaphore, #tpu.memory_space<semaphore_mem>>
        %dma_start3A_239 = arith.constant 9984 : i32
        %dma_start3A_240 = arith.constant 0 : i32
        %dma_start3A_241 = tpu.memref_slice %arg4[%arg0, %dma_start3A_239, %dma_start3A_240] : memref<2x10000x128xf32, #tpu.memory_space<hbm>> -> memref<1x16x128xf32, #tpu.memory_space<hbm>>
        %dma_start3A_242 = tpu.memref_squeeze %dma_start3A_241 : memref<1x16x128xf32, #tpu.memory_space<hbm>> -> memref<16x128xf32, #tpu.memory_space<hbm>>
        %dma_start3A_243 = arith.constant 9984 : i32
        %dma_start3A_244 = arith.constant 0 : i32
        %dma_start3A_245 = tpu.memref_slice %arg8[%dma_start3A_243, %dma_start3A_244] : memref<10000x128xf32, #tpu.memory_space<vmem_shared>> -> memref<16x128xf32, #tpu.memory_space<vmem_shared>>
        tpu.enqueue_dma source(%dma_start3A_245 : memref<16x128xf32, #tpu.memory_space<vmem_shared>>) target(%dma_start3A_242 : memref<16x128xf32, #tpu.memory_space<hbm>>) target_semaphore(%run_scoped3A_238 : memref<!tpu.dma_semaphore, #tpu.memory_space<semaphore_mem>>)
        %dma_wait3A_246 = arith.constant 9984 : i32
        %dma_wait3A_247 = arith.constant 0 : i32
        %dma_wait3A_248 = tpu.memref_slice %arg4[%arg0, %dma_wait3A_246, %dma_wait3A_247] : memref<2x10000x128xf32, #tpu.memory_space<hbm>> -> memref<1x16x128xf32, #tpu.memory_space<hbm>>
        %dma_wait3A_249 = tpu.memref_squeeze %dma_wait3A_248 : memref<1x16x128xf32, #tpu.memory_space<hbm>> -> memref<16x128xf32, #tpu.memory_space<hbm>>
        %dma_wait3A_250 = arith.constant 9984 : i32
        %dma_wait3A_251 = arith.constant 0 : i32
        %dma_wait3A_252 = tpu.memref_slice %arg8[%dma_wait3A_250, %dma_wait3A_251] : memref<10000x128xf32, #tpu.memory_space<vmem_shared>> -> memref<16x128xf32, #tpu.memory_space<vmem_shared>>
        tpu.wait_dma2 semaphore(%run_scoped3A_238 : memref<!tpu.dma_semaphore, #tpu.memory_space<semaphore_mem>>) src(%dma_wait3A_252 : memref<16x128xf32, #tpu.memory_space<vmem_shared>>) dst(%dma_wait3A_249 : memref<16x128xf32, #tpu.memory_space<hbm>>)
        tpu.yield
      }) : () -> ()
    } else {
    }
    return
  }
}

module attributes {stable_mosaic.version = 14 : i64} {
  func.func @body(%arg0: i32, %arg1: memref<2x5000x128xf32, #tpu.memory_space<vmem>>, %arg2: memref<5000x128xf32, #tpu.memory_space<vmem>>, %arg3: memref<128x128xf32, #tpu.memory_space<vmem>>, %arg4: memref<128x128xf32, #tpu.memory_space<vmem>>, %arg5: memref<5000x128xf32, #tpu.memory_space<vmem>>) attributes {dimension_semantics = [#tpu.dimension_semantics<arbitrary>], iteration_bounds = array<i64: 2>, scalar_prefetch = 0 : i64, scratch_operands = 0 : i64, tpu.core_type = #tpu.core_type<tc>, window_params = [{transform_indices = @transform_0, window_bounds = array<i64: 2, 5000, 128>}, {transform_indices = @transform_1, window_bounds = array<i64: 5000, 128>}, {pipeline_mode = #tpu.pipeline_mode<synchronous>, transform_indices = @transform_2, window_bounds = array<i64: 128, 128>}, {pipeline_mode = #tpu.pipeline_mode<synchronous>, transform_indices = @transform_3, window_bounds = array<i64: 128, 128>}, {transform_indices = @transform_4, window_bounds = array<i64: 5000, 128>}]} {
    %get3A = arith.constant 0 : index
    %get3A_0 = arith.constant 0 : index
    %get3A_1 = arith.constant 0 : index
    %get3A_2 = vector.load %arg1[%get3A, %get3A_0, %get3A_1] : memref<2x5000x128xf32, #tpu.memory_space<vmem>>, vector<1x5000x128xf32>
    %get3A_3 = vector.shape_cast %get3A_2 : vector<1x5000x128xf32> to vector<5000x128xf32>
    %get3A_4 = arith.constant 1 : index
    %get3A_5 = arith.constant 0 : index
    %get3A_6 = arith.constant 0 : index
    %get3A_7 = vector.load %arg1[%get3A_4, %get3A_5, %get3A_6] : memref<2x5000x128xf32, #tpu.memory_space<vmem>>, vector<1x5000x128xf32>
    %get3A_8 = vector.shape_cast %get3A_7 : vector<1x5000x128xf32> to vector<5000x128xf32>
    %add3A = arith.addf %get3A_3, %get3A_8 : vector<5000x128xf32>
    %get3A_9 = arith.constant 0 : index
    %get3A_10 = arith.constant 0 : index
    %get3A_11 = vector.load %arg2[%get3A_9, %get3A_10] : memref<5000x128xf32, #tpu.memory_space<vmem>>, vector<5000x128xf32>
    %add3A_12 = arith.addf %add3A, %get3A_11 : vector<5000x128xf32>
    %get3A_13 = arith.constant 0 : index
    %get3A_14 = arith.constant 0 : index
    %get3A_15 = vector.load %arg3[%get3A_13, %get3A_14] : memref<128x128xf32, #tpu.memory_space<vmem>>, vector<128x128xf32>
    %dot_general3A = arith.constant dense<0.000000e+00> : vector<5000x128xf32>
    %dot_general3A_16 = tpu.matmul %add3A_12, %get3A_15, %dot_general3A {dimension_numbers = #tpu.dot_dimension_numbers<[1], [0], [0], [1], [0, 0, 1, 1], [], []>, transpose_lhs_hint = false} : vector<5000x128xf32>, vector<128x128xf32>, vector<5000x128xf32> -> vector<5000x128xf32>
    %mul3A = arith.mulf %add3A, %get3A_11 : vector<5000x128xf32>
    %get3A_17 = arith.constant 0 : index
    %get3A_18 = arith.constant 0 : index
    %get3A_19 = vector.load %arg4[%get3A_17, %get3A_18] : memref<128x128xf32, #tpu.memory_space<vmem>>, vector<128x128xf32>
    %dot_general3A_20 = arith.constant dense<0.000000e+00> : vector<5000x128xf32>
    %dot_general3A_21 = tpu.matmul %mul3A, %get3A_19, %dot_general3A_20 {dimension_numbers = #tpu.dot_dimension_numbers<[1], [0], [0], [1], [0, 0, 1, 1], [], []>, transpose_lhs_hint = false} : vector<5000x128xf32>, vector<128x128xf32>, vector<5000x128xf32> -> vector<5000x128xf32>
    %add3A_22 = arith.addf %dot_general3A_16, %dot_general3A_21 : vector<5000x128xf32>
    %ge3A = arith.constant 0.000000e+00 : f32
    %ge3A_23 = vector.broadcast %ge3A : f32 to vector<5000x128xf32>
    %ge3A_24 = arith.cmpf oge, %add3A_22, %ge3A_23 : vector<5000x128xf32>
    %mul3A_25 = arith.constant 2.000000e-01 : f32
    %mul3A_26 = vector.broadcast %mul3A_25 : f32 to vector<5000x128xf32>
    %mul3A_27 = arith.mulf %mul3A_26, %add3A_22 : vector<5000x128xf32>
    %select_n3A = arith.select %ge3A_24, %add3A_22, %mul3A_27 : vector<5000x128xi1>, vector<5000x128xf32>
    %swap3A = arith.constant 0 : index
    %swap3A_28 = arith.constant 0 : index
    %swap3A_29 = vector.load %arg5[%swap3A, %swap3A_28] : memref<5000x128xf32, #tpu.memory_space<vmem>>, vector<5000x128xf32>
    tpu.vector_store %arg5[%swap3A, %swap3A_28], %select_n3A {strides = array<i32>} : memref<5000x128xf32, #tpu.memory_space<vmem>>, vector<5000x128xf32>,
    return
  }
  func.func @transform_0(%arg0: i32) -> (i32, i32, i32) {
    %c0_i32 = arith.constant 0 : i32
    %c0_i32_0 = arith.constant 0 : i32
    %c0_i32_1 = arith.constant 0 : i32
    return %c0_i32, %arg0, %c0_i32_0 : i32, i32, i32
  }
  func.func @transform_1(%arg0: i32) -> (i32, i32) {
    %c0_i32 = arith.constant 0 : i32
    %c0_i32_0 = arith.constant 0 : i32
    return %arg0, %c0_i32 : i32, i32
  }
  func.func @transform_2(%arg0: i32) -> (i32, i32) {
    %c0_i32 = arith.constant 0 : i32
    %c0_i32_0 = arith.constant 0 : i32
    %c0_i32_1 = arith.constant 0 : i32
    return %c0_i32, %c0_i32_0 : i32, i32
  }
  func.func @transform_3(%arg0: i32) -> (i32, i32) {
    %c0_i32 = arith.constant 0 : i32
    %c0_i32_0 = arith.constant 0 : i32
    %c0_i32_1 = arith.constant 0 : i32
    return %c0_i32, %c0_i32_0 : i32, i32
  }
  func.func @transform_4(%arg0: i32) -> (i32, i32) {
    %c0_i32 = arith.constant 0 : i32
    %c0_i32_0 = arith.constant 0 : i32
    return %arg0, %c0_i32 : i32, i32
  }
}

</mosaic_0001>

<sc_bundles>
// kernel: kernel.4.cloned.1.call-start
scs
__scs_entry_jumppad:
0x0: {  	(pc) =	sbr.rel $0x88, $3  }
0x1: {  	(tag) =	ssettag $0x0;
	lr =	simm.s32 $0x1  }
0x2: {  	[smem:$0x3F9D] =	sst lr;
	_ =	strace $0xD0000000  }
0x3: {  	_ = 	snop  }
0x4: {  	_ = 	snop  }
0x5: {  	_ = 	snop  }
0x6: {  	_ = 	snop  }
0x7: {  	_ = 	snop  }
__scs_overlays_trampoline_lowered:
0x8: {  	[smem:$0x3FAC] =	sst s0  }
0x9: {  	[smem:$0x3FAD] =	sst s1  }
0xa: {  	[smem:$0x3FAE] =	sst s2  }
0xb: {  	[smem:$0x3FAF] =	sst s3  }
0xc: {  	[smem:$0x3FB0] =	sst s4  }
0xd: {  	[smem:$0x3FB1] =	sst s5  }
0xe: {  	[smem:$0x3FB2] =	sst s6  }
0xf: {  	[smem:$0x3FB3] =	sst s7  }
0x10: {  	[smem:$0x3FB4] =	sst s8  }
0x11: {  	[smem:$0x3FB5] =	sst s9;
	s0 =	simm.s32 @!p0 $0x0  }
0x12: {  	s1 =	sld [smem:$0x3F9B];
	s0 =	simm.s32 @p0 $0x1  }
0x13: {  	[smem:$0x3FB6] =	sst s0;
	s0 =	simm.s32 @!p1 $0x0  }
0x14: {  	s2 =	sld [smem:$0x3F9A];
	s0 =	simm.s32 @p1 $0x1  }
0x15: {  	[smem:$0x3FB7] =	sst s0;
	s0 =	simm.s32 @!p2 $0x0  }
0x16: {  	s3 =	sld [smem:$0x3FDB];
	s0 =	simm.s32 @p2 $0x1  }
0x17: {  	s4 =	simm.s32 $0x1BF5;
	[smem:$0x3FB9] =	sst s0  }
0x18: {  	s0 =	sld [smem:$0x3F9C];
	_ =	swait.ge [sflag:s4], $0x0  }
0x19: {  	s7 =	sld [smem:$0x3F9D]  }
0x1a: {  	s8 =	sadd.s32 $0xFFFFE003, lr  }
0x1b: {  	s9 =	sadd.s32 $0xFFFFFEF7, lr;
	s5 =	simm.s32 $0xFFFFFFFF;
	p2 =	slt.u32 s8, $0xFFFFF086  }
0x1c: {  	p1 =	slt.u32 s9, $0xF7A;
	s5 =	simm.s32 @!p2 $0x0  }
0x1d: {  	s5 =	simm.s32 @p1 $0x1;
	p0 =	seq.s32 s7, s2  }
0x1e: {  	s7 =	smul.u32 @!p0 $0xF7A, s2;
	p2 =	seq.s32 @!p0 s5, $0x0  }
0x1f: {  	s9 =	smul.u32 $0xF7A, s1;
	s8 =	simm.s32 @!p0 $0x1BF5;
	p2 =	por !p2, p0  }
0x20: {  	[sflag:s8] =	ssyncset.s32 @!p0 $0xFFFFF086;
	s6 =	sadd.s32 @!p0 s3, s7;
	s7 =	simm.s32 @!p0 $0x108  }
0x21: {  	s3 =	sadd.s32 s3, s9;
	s6 =	sadd.s32 @!p0 $0x88, s6;
	s7 =	simm.s32 @p2 $0x1082  }
0x22: {  	[simem:s7], [sflag:s8] =	dma.local @!p0 [hbm:s6], $0xF7A  }
0x23: {  	s9 =	sor.u32 $0xD0000000, s2;
	s6 =	simm.s32 $0x108;
	_ =	swait.ge @!p0 [sflag:s8], $0x0  }
0x24: {  	s3 =	sadd.s32 $0x88, s3;
	s6 =	simm.s32 @!p1 $0x1082;
	[sflag:s4] =	ssyncset.s32 $0xFFFFF086  }
0x25: {  	[simem:s6], [sflag:s4] =	dma.local [hbm:s3], $0xF7A  }
0x26: {  	[smem:$0x3F9D] =	sst s1;
	(tag) =	ssettag s2;
	_ =	strace s9  }
0x27: {  	s1 =	sld [smem:$0x3FAD]  }
0x28: {  	s2 =	sld [smem:$0x3FAE]  }
0x29: {  	s4 =	sld [smem:$0x3FB0]  }
0x2a: {  	p0 =	seq.s32 s5, $0x0;
	s5 =	sld [smem:$0x3FB1]  }
0x2b: {  	s6 =	sld [smem:$0x3FB2]  }
0x2c: {  	s7 =	sld [smem:$0x3FB3]  }
0x2d: {  	s3 =	simm.s32 $0x108;
	s8 =	sld [smem:$0x3FB4]  }
0x2e: {  	s3 =	simm.s32 @!p0 $0x1082;
	s9 =	sld [smem:$0x3FB5]  }
0x2f: {  	lr =	sadd.s32 s0, s3;
	s0 =	sld [smem:$0x3FAC]  }
0x30: {  	s3 =	sld [smem:$0x3FAF]  }
0x31: {  	[smem:$0x3FB8] =	sst s10  }
0x32: {  	s10 =	sld [smem:$0x3FB6];
	_ =	sdelay $0x3  }
0x33: {  	p0 =	seq.s32 s10, $0x1;
	s10 =	sld [smem:$0x3FB8];
	_ =	sdelay $0x3  }
0x34: {  	[smem:$0x3FB8] =	sst s10  }
0x35: {  	s10 =	sld [smem:$0x3FB7];
	_ =	sdelay $0x3  }
0x36: {  	p1 =	seq.s32 s10, $0x1;
	s10 =	sld [smem:$0x3FB8];
	_ =	sdelay $0x3  }
0x37: {  	[smem:$0x3FB8] =	sst s10  }
0x38: {  	s10 =	sld [smem:$0x3FB9]  }
0x39: {  	_ = 	snop;
	(pc) =	sbr.ind lr, $3  }
0x3a: {  	_ = 	snop  }
0x3b: {  	_ = 	snop  }
0x3c: {  	p2 =	seq.s32 s10, $0x1;
	s10 =	sld [smem:$0x3FB8]  }
0x3d: {  	_ =	shalt  }
0x3e: {  	_ =	shalt  }
0x3f: {  	_ =	shalt  }
0x40: {  	_ =	shalt  }
0x41: {  	_ =	shalt  }
0x42: {  	_ =	shalt  }
0x43: {  	_ =	shalt  }
0x44: {  	_ =	shalt  }
0x45: {  	_ =	shalt  }
0x46: {  	_ =	shalt  }
0x47: {  	_ =	shalt  }
0x48: {  	_ =	shalt  }
0x49: {  	_ =	shalt  }
0x4a: {  	_ =	shalt  }
0x4b: {  	_ =	shalt  }
0x4c: {  	_ =	shalt  }
0x4d: {  	_ =	shalt  }
0x4e: {  	_ =	shalt  }
0x4f: {  	_ =	shalt  }
0x50: {  	_ =	shalt  }
0x51: {  	_ =	shalt  }
0x52: {  	_ =	shalt  }
0x53: {  	_ =	shalt  }
0x54: {  	_ =	shalt  }
0x55: {  	_ =	shalt  }
0x56: {  	_ =	shalt  }
0x57: {  	_ =	shalt  }
0x58: {  	_ =	shalt  }
0x59: {  	_ =	shalt  }
0x5a: {  	_ =	shalt  }
0x5b: {  	_ =	shalt  }
0x5c: {  	_ =	shalt  }
0x5d: {  	_ =	shalt  }
0x5e: {  	_ =	shalt  }
0x5f: {  	_ =	shalt  }
0x60: {  	_ =	shalt  }
0x61: {  	_ =	shalt  }
0x62: {  	_ =	shalt  }
0x63: {  	_ =	shalt  }
0x64: {  	_ =	shalt  }
0x65: {  	_ =	shalt  }
0x66: {  	_ =	shalt  }
0x67: {  	_ =	shalt  }
0x68: {  	_ =	shalt  }
0x69: {  	_ =	shalt  }
0x6a: {  	_ =	shalt  }
0x6b: {  	_ =	shalt  }
0x6c: {  	_ =	shalt  }
0x6d: {  	_ =	shalt  }
0x6e: {  	_ =	shalt  }
0x6f: {  	_ =	shalt  }
0x70: {  	_ =	shalt  }
0x71: {  	_ =	shalt  }
0x72: {  	_ =	shalt  }
0x73: {  	_ =	shalt  }
0x74: {  	_ =	shalt  }
0x75: {  	_ =	shalt  }
0x76: {  	_ =	shalt  }
0x77: {  	_ =	shalt  }
0x78: {  	_ =	shalt  }
0x79: {  	_ =	shalt  }
0x7a: {  	_ =	shalt  }
0x7b: {  	_ =	shalt  }
0x7c: {  	_ =	shalt  }
0x7d: {  	_ =	shalt  }
0x7e: {  	_ =	shalt  }
0x7f: {  	_ =	shalt  }
0x80: {  	_ =	shalt  }
0x81: {  	_ =	shalt  }
0x82: {  	_ =	shalt  }
0x83: {  	_ =	shalt  }
0x84: {  	_ =	shalt  }
0x85: {  	_ =	shalt  }
0x86: {  	_ =	shalt  }
0x87: {  	_ =	shalt  }
.Lfunc_end0:
.L_simem_size_0:
called_computation_lowered:
.L_overlay_start_0:
0x88: {  	s2 =	sld [smem:$0x3FD9]  }
0x89: {  	s3 =	sld [smem:$0x3FFE];
	_ =	sdelay $0x1  }
0x8a: {  	s1 =	srdreg.scid  }
0x8b: {  	s0 =	sand.u32 $0x1, s1  }
0x8c: {  	s17 =	sshll.u32 s0, $0xA;
	s2 =	sadd.s32 s3, s2  }
0x8d: {  	s2 =	sadd.s32 s2, s17  }
0x8e: {  	[smem:$0x3FC4] =	sst s2  }
0x8f: {  	_ = 	snop  }
0x90: {  	s2 =	sld [smem:$0x3FC9]  }
0x91: {  	s18 =	sld [smem:$0x3FD0];
	(tm) =	ssettm $0x1  }
0x92: {  	s4 =	sld [smem:$0x3FFB];
	_ =	sdelay $0x3  }
0x93: {  	_ =	strace s4  }
0x94: {  	s4 =	sld [smem:$0x3FFC];
	_ =	sdelay $0x3  }
0x95: {  	_ =	strace s4  }
0x96: {  	s4 =	sld [smem:$0x3FFD];
	_ =	sdelay $0x3  }
0x97: {  	_ =	strace s4  }
0x98: {  	_ =	strace $0x8FFFFFFF  }
0x99: {  	s19 =	sld [smem:$0x3FDB];
	_ =	sdelay $0x1  }
0x9a: {  	s5 =	simm.s32 $_scs_section_size  }
0x9b: {  	s6 =	simm.s32 $_size__tile_overlayer_lowered;
	s7 =	simm.s32 $_tile_overlayer_lowered  }
0x9c: {  	s22 =	simm.s32 $0x1BFF;
	s21 =	sshll.u32 s7, $0x1;
	s4 =	sadd.s32 s5, s19  }
0x9d: {  	s8 =	simm.s32 $0x0;
	s20 =	sshll.u32 s6, $0x1;
	s6 =	sadd.s32 s21, s4  }
0x9e: {  	[timem:s8], [sflag:s22] =	dma.local [hbm:s6], s20  }
0x9f: {  	_ =	swait.ge [sflag:s22], s20  }
0xa0: {  	s5 =	ssub.s32 $0x0, s20;
	[sflag:s22] =	ssyncset.done $0x0  }
0xa1: {  	[sflag:s22] =	ssyncadd.s32 s5;
	_ =	sdelay $0x1  }
0xa2: {  	s23 =	simm.s32 $0x1B8B  }
0xa3: {  	_ =	swait.ge [sflag:s23], $0x1  }
0xa4: {  	[sflag:s23] =	ssyncset.done $0x0  }
0xa5: {  	s25 =	simm.s32 $0x1B8E;
	s24 =	sld [smem:$0x3FFE];
	[sflag:s23] =	ssyncadd.s32 $0xFFFFFFFF  }
0xa6: {  	s26 =	simm.s32 $execute0_lowered;
	[smem:$0x3FD2] =	sst s25  }
0xa7: {  	s6 =	sshll.u32 s26, $0x1;
	_ =	strace $0x80000046;
	[dreg:$0x1] =	wrdreg $0xFFFFFFFF  }
0xa8: {  	s28 =	simm.s32 $_size_execute0_lowered;
	s4 =	sadd.s32 s4, s6;
	[dreg:$0x0] =	wrdreg $0x0  }
0xa9: {  	s6 =	sshll.u32 s28, $0x1;
	[dreg:$0x2] =	wrdreg s4  }
0xaa: {  	[dreg:$0x3] =	wrdreg s6  }
0xab: {  	[dreg:$0x4] =	wrdreg $0xC0  }
0xac: {  	_ =	task [dreg:s8], $0x5FFFF  }
0xad: {  	[dreg:$0x1] =	wrdreg $0xFFFFFFFF  }
0xae: {  	[dreg:$0x0] =	wrdreg $0x60  }
0xaf: {  	[dreg:$0x2] =	wrdreg s2  }
0xb0: {  	[dreg:$0x3] =	wrdreg s18  }
0xb1: {  	[dreg:$0x4] =	wrdreg s24  }
0xb2: {  	[dreg:$0x5] =	wrdreg $0x90000  }
0xb3: {  	[dreg:$0x6] =	wrdreg $0x9  }
0xb4: {  	_ =	task.clear_ibuf [dreg:s8], $0x7FFFF;
	_ =	strace $0x90000046  }
0xb5: {  	s29 =	simm.s32 $0x9;
	_ =	strace $0x80000048  }
0xb6: {  	_ =	swait.ge [sflag:s29], $0x1  }
0xb7: {  	[sflag:s29] =	ssyncadd.s32 $0xFFFFFFFF  }
0xb8: {  	_ =	strace $0x90000048  }
0xb9: {  	_ =	sfence  }
0xba: {  	s30 =	sld [smem:$0x0];
	_ =	sdelay $0x2  }
0xbb: {  	s31 =	sshll.u32 s1, $0xD;
	s1 =	sshrl.u32 s1, $0x2  }
0xbc: {  	s3 =	sand.u32 $0x4000, s31;
	s1 =	sadd.s32 s1, s30  }
0xbd: {  	s0 =	sor.u32 s3, s0;
	s1 =	sshll.u32 s1, $0x11  }
0xbe: {  	s0 =	sor.u32 s1, s0  }
0xbf: {  	s0 =	sadd.s32 $0x8F2B, s0  }
0xc0: {  	[sflag:s0] =	ssyncadd.remote.s32 $0x1  }
0xc1: {  	_ =	sfence.sel $0xFFFF  }
0xc2: {  	[dreg:$0x0] =	wrdreg $0xFFFFFFFF;
	(pc) =	sbr.abs _section_cstart, $3  }
0xc3: {  	[dreg:$0x1] =	wrdreg $0xFFFFFFFF  }
0xc4: {  	_ =	task.clear_ibuf [dreg:s8], $0x2FFFF;
	_ =	strace $0x9FFFFFFF  }
0xc5: {  	(tm) =	ssettm $0x7FFFFFFF  }
tec
execute0_lowered:
.L_overlay_start_1:
0x0: {  	(tag) =	ssettag $0x1  }
0x1: {  	s1 =	rddreg [dreg:$0x0]  }
0x2: {  	s14 =	rddreg [dreg:$0x1]  }
0x3: {  	s5 =	rddreg [dreg:$0x2]  }
0x4: {  	s2 =	rddreg [dreg:$0x3];
	s3 =	simm.s32 $0x0;
	s6 =	srdreg.scid  }
0x5: {  	s0 =	stileid.u32;
	s22 =	simm.s32 $0x7D;
	s23 =	simm.s32 $0x80  }
0x6: {  	s24 =	simm.s32 $0x5000;
	s25 =	simm.s32 $0x1;
	[smem:$0x7FF] =	sst s3  }
0x7: {  	s15 =	sand.u32 $0x1, s6;
	s26 =	smul.u32 $0x4E000, s0;
	s16 =	sadd.s32 $0x1200, s5  }
0x8: {  	s7 =	sshll.u32 s0, $0x1;
	s19 =	smul.u32 $0x13800, s0;
	s12 =	sadd.s32 $0x138000, s2  }
0x9: {  	s20 =	smul.u32 $0xA00, s0;
	p0 =	sne.s32 s0, $0x0;
	_ =	strace $0x80000047  }
0xa: {  	s28 =	ssub.s32 $0x2, s15;
	s7 =	sor.u32 s15, s7;
	s18 =	smul.u32 $0x138800, s15  }
0xb: {  	s21 =	smul.u32 $0x500, s15;
	s8 =	sshrl.u32 s28, $0x1;
	s6 =	sshrl.u32 s26, $0x2  }
0xc: {  	s10 =	smul.u32 $0x2800, s7;
	s30 =	sadd.s32 s20, s14;
	s20 =	simm.s32 $0x3  }
0xd: {  	s26 =	simm.s32 $0x0;
	s17 =	ssub.s32 s28, s8;
	s5 =	sadd.s32 s6, s2  }
0xe: {  	s19 =	sadd.s32 s19, s18;
	s18 =	sshrl.u32 s18, $0x3;
	s31 =	sadd.s32 s21, s30  }
0xf: {  	s21 =	simm.s32 $0x800;
	s6 =	sadd.s32 $0x3400, s5;
	s7 =	sadd.s32 $0x6800, s5  }
.Ltmp0:
0x10: {  	s8 =	sadd.s32 $0x9C00, s5;
	s9 =	sadd.s32 $0xD000, s5;
	(pc) =	sbr.rel .LBB2_1-.Ltmp0, $4  }
0x11: {  	s11 =	sshrl.u32 s10, $0x3;
	s10 =	sadd.s32 $0x10400, s5;
	s29 =	sshrl.u32 s19, $0x3  }
0x12: {  	s18 =	sadd.s32 s16, s18;
	s19 =	simm.s32 $0x2;
	s11 =	sadd.s32 s14, s11  }
0x13: {  	s14 =	sadd.s32 s16, s29;
	s15 =	sadd.s32 $0x27000, s18;
	s16 =	smax.u32 s17, $0x1  }
0x14: {  	v0 =	vimm.f32 $0.0e+00;
	s17 =	sadd.s32 $0xA080, s31;
	s18 =	simm.s32 $0x1000;
	s13 =	sadd.s32 $0xA000, s11  }
.LBB2_5:
0x15: {  	_ =	swait.ge [sflag:s25], $0x3E80  }
0x16: {  	[sflag:s25] =	ssyncset.done $0x0  }
0x17: {  	s0 =	sadd.s32 $0xB80, s31;
	[sflag:s25] =	ssyncadd.s32 $0xFFFFC180  }
0x18: {  	[spmem:s2] =	stream.indirect.scatter.add.f32 [tilespmem:s24], [sflag:$0x2], $0x80, s0, s22, $0xb8;
	[tilespmem:$0x1C880] =	vst v63  }
0x19: {  	_ =	swait.ge [sflag:s19], $0x3E80  }
0x1a: {  	[sflag:s19] =	ssyncset.done $0x0  }
0x1b: {  	[sflag:s19] =	ssyncadd.s32 $0xFFFFC180  }
.LBB2_7:
0x1c: {  	s0 =	stileid.u32  }
0x1d: {  	s0 =	sshll.u32 s0, $0x6  }
0x1e: {  	[bflag:$0x0] =	sbarrier.arrive $0xFFFF;
	s4 =	sshrl.u32 s5, $0x3;
	s0 =	sor.u32 $0x1C03, s0  }
0x1f: {  	[hbm:s14], [sflag:s0] =	dma.local [spmem:s4], $0x2700  }
0x20: {  	_ =	swait.ge [sflag:s20], $0x2700  }
0x21: {  	s26 =	sadd.s32 $0x1, s26;
	[sflag:s20] =	ssyncset.done $0x0  }
0x22: {  	p1 =	sne.s32 s26, s16;
	s4 =	sshrl.u32 @!p0 s12, $0x3;
	[sflag:s20] =	ssyncadd.s32 $0xFFFFD900  }
0x23: {  	[hbm:s15], [sflag:s0] =	dma.local @!p0 [spmem:s4], $0x100  }
.Ltmp1:
0x24: {  	_ = 	snop;
	(pc) =	sbr.rel @!p1 .LBB2_8-.Ltmp1, $4  }
0x25: {  	s0 =	simm.s32 @!p0 $0x3  }
0x26: {  	_ =	swait.ge @!p0 [sflag:s0], $0x100  }
0x27: {  	[sflag:s0] =	ssyncset.done @!p0 $0x0  }
0x28: {  	[sflag:s0] =	ssyncadd.s32 @!p0 $0xFFFFFF00  }
.LBB2_1:
0x29: {  	s28 =	simm.s32 $0x0;
	s29 =	simm.s32 $0x200  }
.LBB2_2:
0x2a: {  	p1 =	sne.s32 s29, $0xCE00;
	[tilespmem:s28+$0x1070] =	vst v0  }
0x2b: {  	[tilespmem:s28+$0x1000] =	vst v0  }
0x2c: {  	[tilespmem:s28+$0x1010] =	vst v0  }
.Ltmp2:
0x2d: {  	[tilespmem:s28+$0x1020] =	vst v0;
	(pc) =	sbr.rel @p1 .LBB2_2-.Ltmp2, $4  }
0x2e: {  	[tilespmem:s28+$0x1030] =	vst v0  }
0x2f: {  	[tilespmem:s28+$0x1040] =	vst v0  }
0x30: {  	[tilespmem:s28+$0x1050] =	vst v0  }
0x31: {  	[tilespmem:s28+$0x1060] =	vst v0;
	s28 =	sshra.s32 s29, $0x2;
	s29 =	sadd.s32 $0x200, s29  }
0x32: {  	[tilespmem:s28+$0x1070] =	vst v0  }
0x33: {  	[tilespmem:s28+$0x1000] =	vst v0  }
0x34: {  	[tilespmem:s28+$0x1010] =	vst v0  }
0x35: {  	[tilespmem:s28+$0x1020] =	vst v0  }
0x36: {  	[tilespmem:s28+$0x1030] =	vst v0  }
0x37: {  	[tilespmem:s28+$0x1040] =	vst v0  }
0x38: {  	[tilespmem:s28+$0x1050] =	vst v0  }
0x39: {  	[tilespmem:s28+$0x1060] =	vst v0  }
0x3a: {  	[spmem:s5] =	stream.linear.scatter [tilespmem:s18], [sflag:$0x2], $0x3400, $0x38;
	[tilespmem:$0x1C880] =	vst v63  }
0x3b: {  	_ = 	snop  }
0x3c: {  	[spmem:s6] =	stream.linear.scatter [tilespmem:s18], [sflag:$0x2], $0x3400, $0x38;
	[tilespmem:$0x1C880] =	vst v63  }
0x3d: {  	_ = 	snop  }
0x3e: {  	[spmem:s7] =	stream.linear.scatter [tilespmem:s18], [sflag:$0x2], $0x3400, $0x38;
	[tilespmem:$0x1C880] =	vst v63  }
0x3f: {  	_ = 	snop  }
0x40: {  	[spmem:s8] =	stream.linear.scatter [tilespmem:s18], [sflag:$0x2], $0x3400, $0x38;
	[tilespmem:$0x1C880] =	vst v63  }
0x41: {  	_ = 	snop  }
0x42: {  	[spmem:s9] =	stream.linear.scatter [tilespmem:s18], [sflag:$0x2], $0x3400, $0x38;
	[tilespmem:$0x1C880] =	vst v63  }
0x43: {  	_ = 	snop  }
0x44: {  	[spmem:s10] =	stream.linear.scatter [tilespmem:s18], [sflag:$0x2], $0x3400, $0x38;
	[tilespmem:$0x1C880] =	vst v63  }
0x45: {  	s28 =	simm.s32 @!p0 $0x1000  }
0x46: {  	[spmem:s12] =	stream.linear.scatter @!p0 [tilespmem:s28], [sflag:$0x2], $0x800, $0x38;
	[tilespmem:$0x1C880] =	vst v63  }
0x47: {  	_ =	swait.ge [sflag:s19], $0x3400  }
0x48: {  	[sflag:s19] =	ssyncset.done $0x0  }
0x49: {  	[sflag:s19] =	ssyncadd.s32 $0xFFFFCC00  }
0x4a: {  	_ =	swait.ge [sflag:s19], $0x3400  }
0x4b: {  	[sflag:s19] =	ssyncset.done $0x0  }
0x4c: {  	[sflag:s19] =	ssyncadd.s32 $0xFFFFCC00  }
0x4d: {  	_ =	swait.ge [sflag:s19], $0x3400  }
0x4e: {  	[sflag:s19] =	ssyncset.done $0x0  }
0x4f: {  	[sflag:s19] =	ssyncadd.s32 $0xFFFFCC00  }
0x50: {  	_ =	swait.ge [sflag:s19], $0x3400  }
0x51: {  	[sflag:s19] =	ssyncset.done $0x0  }
0x52: {  	[sflag:s19] =	ssyncadd.s32 $0xFFFFCC00  }
0x53: {  	_ =	swait.ge [sflag:s19], $0x3400  }
0x54: {  	[sflag:s19] =	ssyncset.done $0x0  }
0x55: {  	[sflag:s19] =	ssyncadd.s32 $0xFFFFCC00  }
0x56: {  	_ =	swait.ge [sflag:s19], $0x3400  }
0x57: {  	[sflag:s19] =	ssyncset.done $0x0  }
0x58: {  	s28 =	simm.s32 @!p0 $0x2;
	[sflag:s19] =	ssyncadd.s32 $0xFFFFCC00  }
0x59: {  	_ =	swait.ge @!p0 [sflag:s28], $0x800  }
0x5a: {  	[sflag:s28] =	ssyncset.done @!p0 $0x0  }
0x5b: {  	[sflag:s28] =	ssyncadd.s32 @!p0 $0xFFFFF800  }
0x5c: {  	[bflag:$0x0] =	sbarrier.arrive $0xFFFF  }
0x5d: {  	[tilespmem:s3], [sflag:$0x3] =	stream.linear.gather [hbm4b:s11+s3], $0x400, $0x38;
	[tilespmem:$0x1C880] =	vst v63  }
0x5e: {  	_ =	swait.ge [sflag:s20], $0x400  }
0x5f: {  	[sflag:s20] =	ssyncset.done $0x0  }
0x60: {  	[sflag:s20] =	ssyncadd.s32 $0xFFFFFC00  }
0x61: {  	[tilespmem:s21], [sflag:$0x3] =	stream.linear.gather [hbm4b:s13+s3], $0x400, $0x38;
	[tilespmem:$0x1C880] =	vst v63  }
0x62: {  	_ =	swait.ge [sflag:s20], $0x400  }
0x63: {  	[sflag:s20] =	ssyncset.done $0x0  }
0x64: {  	s28 =	simm.s32 $0x1000;
	[sflag:s20] =	ssyncadd.s32 $0xFFFFFC00  }
0x65: {  	[tilespmem:s28], [sflag:$0x1] =	stream.indirect.gather [hbm4b:s1+s22], $0x80, s3, s22, $0xb8;
	[tilespmem:$0x1C880] =	vst v63  }
0x66: {  	s29 =	simm.s32 $0x400;
	s30 =	smov.u32 s17  }
0x67: {  	[tilespmem:s24], [sflag:$0x1] =	stream.indirect.gather [hbm4b:s1+s22], $0x80, s23, s22, $0xb8;
	[tilespmem:$0x1C880] =	vst v63  }
.LBB2_4:
0x68: {  	p1 =	seq.s32 s29, $0x2800  }
0x69: {  	s31 =	sand.u32 @!p1 $0x400, s29;
	s0 =	sadd.s32 @!p1 $0xFFFF6000, s30;
	s4 =	simm.s32 @!p1 $0x0  }
0x6a: {  	[tilespmem:s31], [sflag:$0x3] =	stream.linear.gather @!p1 [hbm4b:s0+s4], $0x400, $0x38;
	[tilespmem:$0x1C880] =	vst v63  }
0x6b: {  	s0 =	simm.s32 @!p1 $0x3  }
0x6c: {  	_ =	swait.ge @!p1 [sflag:s0], $0x400  }
0x6d: {  	[sflag:s0] =	ssyncset.done @!p1 $0x0  }
0x6e: {  	s31 =	sor.u32 @!p1 $0x800, s31;
	[sflag:s0] =	ssyncadd.s32 @!p1 $0xFFFFFC00  }
0x6f: {  	[tilespmem:s31], [sflag:$0x3] =	stream.linear.gather @!p1 [hbm4b:s30+s4], $0x400, $0x38;
	[tilespmem:$0x1C880] =	vst v63  }
0x70: {  	_ =	swait.ge @!p1 [sflag:s0], $0x400  }
0x71: {  	[sflag:s0] =	ssyncset.done @!p1 $0x0  }
0x72: {  	[sflag:s0] =	ssyncadd.s32 @!p1 $0xFFFFFC00  }
0x73: {  	s4 =	sadd.s32 $0xFFFFFC00, s29;
	_ =	swait.ge [sflag:s25], $0x3E80  }
0x74: {  	s31 =	sand.u32 $0x400, s4;
	[sflag:s25] =	ssyncset.done $0x0  }
0x75: {  	s0 =	sor.u32 $0x800, s31;
	[sflag:s25] =	ssyncadd.s32 $0xFFFFC180  }
0x76: {  	[spmem:s2] =	stream.indirect.scatter.add.f32 [tilespmem:s18], [sflag:$0x2], $0x80, s0, s22, $0xb8;
	[tilespmem:$0x1C880] =	vst v63  }
0x77: {  	_ =	swait.ge [sflag:s19], $0x3E80  }
0x78: {  	[sflag:s19] =	ssyncset.done $0x0  }
0x79: {  	s4 =	sor.u32 $0x100, s31;
	[sflag:s19] =	ssyncadd.s32 $0xFFFFC180  }
0x7a: {  	[tilespmem:s18], [sflag:$0x1] =	stream.indirect.gather [hbm4b:s1+s22], $0x80, s4, s22, $0xb8;
	[tilespmem:$0x1C880] =	vst v63  }
0x7b: {  	_ =	swait.ge [sflag:s25], $0x3E80  }
0x7c: {  	[sflag:s25] =	ssyncset.done $0x0  }
0x7d: {  	s4 =	sor.u32 $0x880, s31;
	[sflag:s25] =	ssyncadd.s32 $0xFFFFC180  }
0x7e: {  	[spmem:s2] =	stream.indirect.scatter.add.f32 [tilespmem:s24], [sflag:$0x2], $0x80, s4, s22, $0xb8;
	[tilespmem:$0x1C880] =	vst v63  }
0x7f: {  	_ =	swait.ge [sflag:s19], $0x3E80  }
0x80: {  	[sflag:s19] =	ssyncset.done $0x0  }
0x81: {  	s4 =	sor.u32 $0x180, s31;
	[sflag:s19] =	ssyncadd.s32 $0xFFFFC180  }
0x82: {  	[tilespmem:s24], [sflag:$0x1] =	stream.indirect.gather [hbm4b:s1+s22], $0x80, s4, s22, $0xb8;
	[tilespmem:$0x1C880] =	vst v63  }
0x83: {  	_ =	swait.ge [sflag:s25], $0x3E80  }
0x84: {  	[sflag:s25] =	ssyncset.done $0x0  }
0x85: {  	s4 =	sor.u32 $0x900, s31;
	[sflag:s25] =	ssyncadd.s32 $0xFFFFC180  }
0x86: {  	[spmem:s2] =	stream.indirect.scatter.add.f32 [tilespmem:s18], [sflag:$0x2], $0x80, s4, s22, $0xb8;
	[tilespmem:$0x1C880] =	vst v63  }
0x87: {  	_ =	swait.ge [sflag:s19], $0x3E80  }
0x88: {  	[sflag:s19] =	ssyncset.done $0x0  }
0x89: {  	s4 =	sor.u32 $0x200, s31;
	[sflag:s19] =	ssyncadd.s32 $0xFFFFC180  }
0x8a: {  	[tilespmem:s18], [sflag:$0x1] =	stream.indirect.gather [hbm4b:s1+s22], $0x80, s4, s22, $0xb8;
	[tilespmem:$0x1C880] =	vst v63  }
0x8b: {  	_ =	swait.ge [sflag:s25], $0x3E80  }
0x8c: {  	[sflag:s25] =	ssyncset.done $0x0  }
0x8d: {  	s4 =	sor.u32 $0x980, s31;
	[sflag:s25] =	ssyncadd.s32 $0xFFFFC180  }
0x8e: {  	[spmem:s2] =	stream.indirect.scatter.add.f32 [tilespmem:s24], [sflag:$0x2], $0x80, s4, s22, $0xb8;
	[tilespmem:$0x1C880] =	vst v63  }
0x8f: {  	_ =	swait.ge [sflag:s19], $0x3E80  }
0x90: {  	[sflag:s19] =	ssyncset.done $0x0  }
0x91: {  	s4 =	sor.u32 $0x280, s31;
	[sflag:s19] =	ssyncadd.s32 $0xFFFFC180  }
0x92: {  	[tilespmem:s24], [sflag:$0x1] =	stream.indirect.gather [hbm4b:s1+s22], $0x80, s4, s22, $0xb8;
	[tilespmem:$0x1C880] =	vst v63  }
0x93: {  	_ =	swait.ge [sflag:s25], $0x3E80  }
0x94: {  	[sflag:s25] =	ssyncset.done $0x0  }
0x95: {  	s4 =	sor.u32 $0xA00, s31;
	[sflag:s25] =	ssyncadd.s32 $0xFFFFC180  }
0x96: {  	[spmem:s2] =	stream.indirect.scatter.add.f32 [tilespmem:s18], [sflag:$0x2], $0x80, s4, s22, $0xb8;
	[tilespmem:$0x1C880] =	vst v63  }
0x97: {  	_ =	swait.ge [sflag:s19], $0x3E80  }
0x98: {  	[sflag:s19] =	ssyncset.done $0x0  }
0x99: {  	s4 =	sor.u32 $0x300, s31;
	[sflag:s19] =	ssyncadd.s32 $0xFFFFC180  }
0x9a: {  	[tilespmem:s18], [sflag:$0x1] =	stream.indirect.gather [hbm4b:s1+s22], $0x80, s4, s22, $0xb8;
	[tilespmem:$0x1C880] =	vst v63  }
0x9b: {  	_ =	swait.ge [sflag:s25], $0x3E80  }
0x9c: {  	[sflag:s25] =	ssyncset.done $0x0  }
0x9d: {  	s4 =	sor.u32 $0xA80, s31;
	[sflag:s25] =	ssyncadd.s32 $0xFFFFC180  }
0x9e: {  	[spmem:s2] =	stream.indirect.scatter.add.f32 [tilespmem:s24], [sflag:$0x2], $0x80, s4, s22, $0xb8;
	[tilespmem:$0x1C880] =	vst v63  }
0x9f: {  	_ =	swait.ge [sflag:s19], $0x3E80  }
0xa0: {  	[sflag:s19] =	ssyncset.done $0x0  }
0xa1: {  	s4 =	sor.u32 $0x380, s31;
	[sflag:s19] =	ssyncadd.s32 $0xFFFFC180  }
0xa2: {  	[tilespmem:s24], [sflag:$0x1] =	stream.indirect.gather [hbm4b:s1+s22], $0x80, s4, s22, $0xb8;
	[tilespmem:$0x1C880] =	vst v63  }
0xa3: {  	_ =	swait.ge [sflag:s25], $0x3E80  }
0xa4: {  	p1 =	sne.s32 s29, $0x2800;
	[sflag:s25] =	ssyncset.done $0x0  }
.Ltmp3:
0xa5: {  	s4 =	sor.u32 $0xB00, s31;
	[sflag:s25] =	ssyncadd.s32 $0xFFFFC180;
	(pc) =	sbr.rel @!p1 .LBB2_5-.Ltmp3, $4  }
0xa6: {  	[spmem:s2] =	stream.indirect.scatter.add.f32 [tilespmem:s18], [sflag:$0x2], $0x80, s4, s22, $0xb8;
	[tilespmem:$0x1C880] =	vst v63  }
0xa7: {  	_ =	swait.ge [sflag:s19], $0x3E80  }
0xa8: {  	[sflag:s19] =	ssyncset.done $0x0  }
0xa9: {  	[sflag:s19] =	ssyncadd.s32 $0xFFFFC180  }
0xaa: {  	s0 =	sshrl.u32 s28, $0x2  }
0xab: {  	s0 =	sand.u32 $0x400, s0  }
0xac: {  	[tilespmem:s18], [sflag:$0x1] =	stream.indirect.gather [hbm4b:s1+s22], $0x80, s0, s22, $0xb8;
	[tilespmem:$0x1C880] =	vst v63  }
0xad: {  	_ =	swait.ge [sflag:s25], $0x3E80  }
0xae: {  	s29 =	sadd.s32 $0x400, s29;
	[sflag:s25] =	ssyncset.done $0x0  }
0xaf: {  	s4 =	sadd.s32 $0xB80, s31;
	p1 =	sne.s32 s29, $0x2C00;
	[sflag:s25] =	ssyncadd.s32 $0xFFFFC180  }
0xb0: {  	[spmem:s2] =	stream.indirect.scatter.add.f32 [tilespmem:s24], [sflag:$0x2], $0x80, s4, s22, $0xb8;
	[tilespmem:$0x1C880] =	vst v63  }
.Ltmp4:
0xb1: {  	_ = 	snop;
	(pc) =	sbr.rel @p1 .LBB2_4-.Ltmp4, $4  }
.Ltmp5:
0xb2: {  	_ =	swait.ge [sflag:s19], $0x3E80;
	(pc) =	sbr.rel @!p1 .LBB2_7-.Ltmp5, $4  }
0xb3: {  	s28 =	sadd.s32 $0x1000, s28;
	[sflag:s19] =	ssyncset.done $0x0  }
0xb4: {  	s30 =	sadd.s32 $0x80, s30;
	s0 =	sor.u32 $0x80, s0;
	[sflag:s19] =	ssyncadd.s32 $0xFFFFC180  }
0xb5: {  	[tilespmem:s24], [sflag:$0x1] =	stream.indirect.gather [hbm4b:s1+s22], $0x80, s0, s22, $0xb8;
	[tilespmem:$0x1C880] =	vst v63  }
0xb6: {  	_ = 	snop  }
.LBB2_8:
0xb7: {  	_ =	sfence.sel $0x180000  }
0xb8: {  	[bflag:$0x0] =	sbarrier.arrive $0xFFFF  }
0xb9: {  	_ =	strace $0x90000047  }
0xba: {  	[bflag:$0x2] =	sbarrier.arrive $0xFFFF  }
0xbb: {  	s0 =	rddreg [dreg:$0x4]  }
0xbc: {  	s0 =	sadd.s32 @!p0 $0x100000, s0  }
0xbd: {  	[sflag:s0] =	ssyncadd.tile.s32 @!p0 $0x1;
	_ =	shalt  }
.Lfunc_end2:
_tile_overlayer_lowered:
.L_overlay_start_2:
0xbe: {  	(tag) =	ssettag $0x2  }
0xbf: {  	s0 =	rddreg [dreg:$0x0];
	s2 =	stileid.u32  }
0xc0: {  	s1 =	rddreg [dreg:$0x1];
	p0 =	sne.s32 s2, $0x0  }
0xc1: {  	s3 =	rddreg [dreg:$0x2];
	[bflag:$0x3] =	sbarrier.arrive $0xFFFF;
	s2 =	simm.s32 @!p0 $0x1C03  }
0xc2: {  	[timem:s3], [sflag:s2] =	dma.local @!p0 [hbm:s0], s1  }
0xc3: {  	s0 =	simm.s32 @!p0 $0x3  }
0xc4: {  	_ =	swait.ge @!p0 [sflag:s0], s1  }
0xc5: {  	s1 =	ssub.s32 @!p0 $0x0, s1;
	[sflag:s0] =	ssyncset.done @!p0 $0x0  }
0xc6: {  	[sflag:s0] =	ssyncadd.s32 @!p0 s1  }
0xc7: {  	[bflag:$0x3] =	sbarrier.arrive $0xFFFF  }
0xc8: {  	_ =	shalt  }

</sc_bundles>
